<compile_context>
chip_gen: v7x
topology: tpu7x:2x2x1
jax: 0.10.2.dev20260603
libtpu: 0.0.44.dev20260713+nightly
codegen_flags: <defaults>
</compile_context>

<pallas_src>
import functools

import jax
import jax.numpy as jnp
from jax import lax
from jax.experimental import pallas as pl
from jax.experimental.pallas import tpu as pltpu
from jax.experimental.pallas import tpu_sc as plsc

N = 10000
E = 320000
D = 128
H1 = 256
H2 = 128

NC = 2
NS = 16
L = 16
B = 128

E_MP = E + N
NB_MP = -(-E_MP // (NS * B))
EPT_MP = NB_MP * B
E_MP_PAD = NS * EPT_MP

NB_HD = -(-E // (NC * NS * B))
E_HD_PAD = NC * NS * NB_HD * B

NP = 10240
NPT = NP // NS



def _tc1_body(x_ref, w0_ref, b0_ref, w1_ref, att_ref, ha_ref, hb_ref, al_ref):
    h0 = jnp.dot(x_ref[...], w0_ref[...], preferred_element_type=jnp.float32)
    h0 = jnp.maximum(h0 + b0_ref[...], 0.0)
    h1 = jnp.dot(h0, w1_ref[...], preferred_element_type=jnp.float32)
    ha_ref[...] = h1[:, : H1 // 2]
    hb_ref[...] = h1[:, H1 // 2 :]
    a_src = jnp.sum(h1 * att_ref[0:1, :], axis=1, keepdims=True)
    a_dst = jnp.sum(h1 * att_ref[1:2, :], axis=1, keepdims=True)
    al_ref[...] = jnp.concatenate([a_src, a_dst], axis=1)


def _tc1(x, W0, b0, W1, att1):
    return pl.pallas_call(
        _tc1_body,
        out_shape=[
            jax.ShapeDtypeStruct((N, H1 // 2), jnp.float32),
            jax.ShapeDtypeStruct((N, H1 // 2), jnp.float32),
            jax.ShapeDtypeStruct((N, 2), jnp.float32),
        ],
    )(x, W0, b0, W1, att1)


def _tc2_body(ua_ref, ub_ref, dp_ref, b1_ref, w2_ref, att_ref,
              h2_ref, al_ref):
    den = jnp.sum(dp_ref[...], axis=0, keepdims=True) + 1e-16
    u = jnp.concatenate([ua_ref[...], ub_ref[...]], axis=1)
    g = jnp.maximum(u / den.T + b1_ref[...], 0.0)
    h2 = jnp.dot(g, w2_ref[...], preferred_element_type=jnp.float32)
    h2_ref[...] = h2
    a_src = jnp.sum(h2 * att_ref[0:1, :], axis=1, keepdims=True)
    a_dst = jnp.sum(h2 * att_ref[1:2, :], axis=1, keepdims=True)
    al_ref[...] = jnp.concatenate([a_src, a_dst], axis=1)


def _tc2(uA, uB, dp, bias1, W2, att2):
    return pl.pallas_call(
        _tc2_body,
        out_shape=[
            jax.ShapeDtypeStruct((N, H2), jnp.float32),
            jax.ShapeDtypeStruct((N, 2), jnp.float32),
        ],
    )(uA, uB, dp, bias1, W2, att2)


def _tc3_body(u0_ref, u1_ref, dp_ref, b2_ref, hf_ref):
    den = jnp.sum(dp_ref[...], axis=0, keepdims=True) + 1e-16
    u = u0_ref[...] + u1_ref[...]
    hf_ref[...] = u / den.T + b2_ref[...]


def _tc3(u0, u1, dp, bias2):
    return pl.pallas_call(
        _tc3_body,
        out_shape=jax.ShapeDtypeStruct((N, H2), jnp.float32),
    )(u0, u1, dp, bias2)



def _make_sc_gat(half):
    mesh = plsc.VectorSubcoreMesh(core_axis_name="c", subcore_axis_name="s",
                                  num_cores=NC, num_subcores=NS)

    @functools.partial(
        pl.kernel,
        out_type=[
            jax.ShapeDtypeStruct((NP, half), jnp.float32),
            jax.ShapeDtypeStruct((NP, half), jnp.float32),
            jax.ShapeDtypeStruct((NS, NP), jnp.float32),
        ],
        mesh=mesh,
        scratch_types=[
            pltpu.VMEM((2 * N,), jnp.float32),
            pltpu.VMEM((NP,), jnp.float32),
            pltpu.VMEM((B,), jnp.int32),
            pltpu.VMEM((B,), jnp.int32),
            pltpu.VMEM((B,), jnp.float32),
            pltpu.VMEM((B, half), jnp.float32),
            pltpu.VMEM_SHARED((NP, half), jnp.float32),
            pltpu.SemaphoreType.DMA,
        ],
        compiler_params=pltpu.CompilerParams(needs_layout_passes=False),
    )
    def k(ha_hbm, hb_hbm, al_hbm, src_hbm, dst_hbm,
          ua_out, ub_out, dp_out,
          al_v, dtab_v, src_v, dst_v, ex_v, rows_v, u_sh, sem):
        c = lax.axis_index("c")
        s = lax.axis_index("s")

        def zrow(i, carry):
            for kk in range(half // L):
                rows_v[i, pl.ds(kk * L, L)] = jnp.zeros((L,), jnp.float32)
            return carry

        lax.fori_loop(0, B, zrow, 0)
        for j in range(NPT // B):
            pltpu.sync_copy(rows_v,
                            u_sh.at[pl.ds(s * NPT + j * B, B)])

        def zden(i, carry):
            dtab_v[pl.ds(i * L, L)] = jnp.zeros((L,), jnp.float32)
            return carry

        lax.fori_loop(0, NP // L, zden, 0)
        pltpu.sync_copy(al_hbm, al_v)
        plsc.subcore_barrier()

        def batch(b, carry):
            base = s * EPT_MP + b * B
            pltpu.sync_copy(src_hbm.at[pl.ds(base, B)], src_v)
            pltpu.sync_copy(dst_hbm.at[pl.ds(base, B)], dst_v)

            @pl.when(c == 0)
            def _():
                pltpu.async_copy(ha_hbm.at[src_v], rows_v, sem).wait()

            @pl.when(c == 1)
            def _():
                pltpu.async_copy(hb_hbm.at[src_v], rows_v, sem).wait()

            def chunk(j, carry2):
                s16 = src_v[pl.ds(j * L, L)]
                d16 = dst_v[pl.ds(j * L, L)]
                av = plsc.load_gather(al_v, [s16 * 2])
                bv = plsc.load_gather(al_v, [d16 * 2 + 1])
                a = av + bv
                a = jnp.where(a > 0.0, a, 0.2 * a)
                ex = jnp.exp(a)
                pos = base + j * L + lax.iota(jnp.int32, L)
                ex = jnp.where(pos < E_MP, ex, 0.0)
                ex_v[pl.ds(j * L, L)] = ex

                @pl.when(c == 0)
                def _():
                    plsc.addupdate_scatter(dtab_v, [d16], ex)

                return carry2

            lax.fori_loop(0, B // L, chunk, 0)

            def scale(e, carry2):
                coef = plsc.load_gather(ex_v, [jnp.full((L,), e, jnp.int32)])
                for kk in range(half // L):
                    rows_v[e, pl.ds(kk * L, L)] = (
                        rows_v[e, pl.ds(kk * L, L)] * coef)
                return carry2

            lax.fori_loop(0, B, scale, 0)
            pltpu.sync_copy(rows_v, u_sh.at[dst_v], add=True)
            return carry

        lax.fori_loop(0, NB_MP, batch, 0)
        plsc.subcore_barrier()

        @pl.when(c == 0)
        def _():
            pltpu.sync_copy(u_sh.at[pl.ds(s * NPT, NPT)],
                            ua_out.at[pl.ds(s * NPT, NPT)])
            pltpu.sync_copy(dtab_v, dp_out.at[s])

        @pl.when(c == 1)
        def _():
            pltpu.sync_copy(u_sh.at[pl.ds(s * NPT, NPT)],
                            ub_out.at[pl.ds(s * NPT, NPT)])

    return k



NB_MP2 = E_MP_PAD // (NC * NS * B)
EPT_MP2 = NB_MP2 * B


def _make_sc_gat2():
    mesh = plsc.VectorSubcoreMesh(core_axis_name="c", subcore_axis_name="s",
                                  num_cores=NC, num_subcores=NS)

    @functools.partial(
        pl.kernel,
        out_type=[
            jax.ShapeDtypeStruct((NC, NP, H2), jnp.float32),
            jax.ShapeDtypeStruct((NC, NS, NP), jnp.float32),
        ],
        mesh=mesh,
        scratch_types=[
            pltpu.VMEM((2 * N,), jnp.float32),
            pltpu.VMEM((NP,), jnp.float32),
            pltpu.VMEM((B,), jnp.int32),
            pltpu.VMEM((B,), jnp.int32),
            pltpu.VMEM((B,), jnp.float32),
            pltpu.VMEM((B, H2), jnp.float32),
            pltpu.VMEM_SHARED((NP, H2), jnp.float32),
            pltpu.SemaphoreType.DMA,
        ],
        compiler_params=pltpu.CompilerParams(needs_layout_passes=False),
    )
    def k(h_hbm, al_hbm, src_hbm, dst_hbm,
          u_out, dp_out,
          al_v, dtab_v, src_v, dst_v, ex_v, rows_v, u_sh, sem):
        c = lax.axis_index("c")
        s = lax.axis_index("s")
        w = c * NS + s

        def zrow(i, carry):
            for kk in range(H2 // L):
                rows_v[i, pl.ds(kk * L, L)] = jnp.zeros((L,), jnp.float32)
            return carry

        lax.fori_loop(0, B, zrow, 0)
        for j in range(NPT // B):
            pltpu.sync_copy(rows_v,
                            u_sh.at[pl.ds(s * NPT + j * B, B)])

        def zden(i, carry):
            dtab_v[pl.ds(i * L, L)] = jnp.zeros((L,), jnp.float32)
            return carry

        lax.fori_loop(0, NP // L, zden, 0)
        pltpu.sync_copy(al_hbm, al_v)
        plsc.subcore_barrier()

        def batch(b, carry):
            base = w * EPT_MP2 + b * B
            pltpu.sync_copy(src_hbm.at[pl.ds(base, B)], src_v)
            pltpu.sync_copy(dst_hbm.at[pl.ds(base, B)], dst_v)
            pltpu.async_copy(h_hbm.at[src_v], rows_v, sem).wait()

            def chunk(j, carry2):
                s16 = src_v[pl.ds(j * L, L)]
                d16 = dst_v[pl.ds(j * L, L)]
                av = plsc.load_gather(al_v, [s16 * 2])
                bv = plsc.load_gather(al_v, [d16 * 2 + 1])
                a = av + bv
                a = jnp.where(a > 0.0, a, 0.2 * a)
                ex = jnp.exp(a)
                pos = base + j * L + lax.iota(jnp.int32, L)
                ex = jnp.where(pos < E_MP, ex, 0.0)
                ex_v[pl.ds(j * L, L)] = ex
                plsc.addupdate_scatter(dtab_v, [d16], ex)
                return carry2

            lax.fori_loop(0, B // L, chunk, 0)

            def scale(e, carry2):
                coef = plsc.load_gather(ex_v, [jnp.full((L,), e, jnp.int32)])
                for kk in range(H2 // L):
                    rows_v[e, pl.ds(kk * L, L)] = (
                        rows_v[e, pl.ds(kk * L, L)] * coef)
                return carry2

            lax.fori_loop(0, B, scale, 0)
            pltpu.sync_copy(rows_v, u_sh.at[dst_v], add=True)
            return carry

        lax.fori_loop(0, NB_MP2, batch, 0)
        plsc.subcore_barrier()
        pltpu.sync_copy(u_sh.at[pl.ds(s * NPT, NPT)],
                        u_out.at[c, pl.ds(s * NPT, NPT)])
        pltpu.sync_copy(dtab_v, dp_out.at[c, s])

    return k



def _make_sc_head():
    mesh = plsc.VectorSubcoreMesh(core_axis_name="c", subcore_axis_name="s",
                                  num_cores=NC, num_subcores=NS)

    @functools.partial(
        pl.kernel,
        out_type=jax.ShapeDtypeStruct((E_HD_PAD,), jnp.float32),
        mesh=mesh,
        scratch_types=[
            pltpu.VMEM((B,), jnp.int32),
            pltpu.VMEM((B,), jnp.int32),
            pltpu.VMEM((B, H2), jnp.float32),
            pltpu.VMEM((B, H2), jnp.float32),
            pltpu.VMEM((B,), jnp.float32),
            pltpu.SemaphoreType.DMA,
        ],
        compiler_params=pltpu.CompilerParams(needs_layout_passes=False),
    )
    def k(hf_hbm, e0_hbm, e1_hbm, out_hbm,
          e0_v, e1_v, r0_v, r1_v, ob_v, sem):
        c = lax.axis_index("c")
        s = lax.axis_index("s")
        w = c * NS + s

        def batch(b, carry):
            base = (w * NB_HD + b) * B
            pltpu.sync_copy(e0_hbm.at[pl.ds(base, B)], e0_v)
            pltpu.sync_copy(e1_hbm.at[pl.ds(base, B)], e1_v)
            pltpu.async_copy(hf_hbm.at[e0_v], r0_v, sem).wait()
            pltpu.async_copy(hf_hbm.at[e1_v], r1_v, sem).wait()

            lane0 = lax.iota(jnp.int32, L) == 0

            def dot_e(e, carry2):
                acc = r0_v[e, pl.ds(0, L)] * r1_v[e, pl.ds(0, L)]
                for kk in range(1, H2 // L):
                    acc = acc + (r0_v[e, pl.ds(kk * L, L)]
                                 * r1_v[e, pl.ds(kk * L, L)])
                s = jnp.sum(acc)
                plsc.store_scatter(ob_v, [jnp.full((L,), e, jnp.int32)],
                                   jnp.full((L,), s), mask=lane0)
                return carry2

            lax.fori_loop(0, B, dot_e, 0)
            for kk in range(B // L):
                v = ob_v[pl.ds(kk * L, L)]
                ob_v[pl.ds(kk * L, L)] = 1.0 / (1.0 + jnp.exp(-v))
            pltpu.sync_copy(ob_v, out_hbm.at[pl.ds(base, B)])
            return carry

        lax.fori_loop(0, NB_HD, batch, 0)

    return k



def kernel(x, edge_index, edge, W0, b0, W1, att_src1, att_dst1, bias1,
           W2, att_src2, att_dst2, bias2):
    loop = jnp.arange(N, dtype=jnp.int32)
    src = jnp.concatenate([edge_index[0].astype(jnp.int32), loop])
    dst = jnp.concatenate([edge_index[1].astype(jnp.int32), loop])
    src = jnp.pad(src, (0, E_MP_PAD - E_MP))
    dst = jnp.pad(dst, (0, E_MP_PAD - E_MP))
    e0 = jnp.pad(edge[0].astype(jnp.int32), (0, E_HD_PAD - E))
    e1 = jnp.pad(edge[1].astype(jnp.int32), (0, E_HD_PAD - E))

    att1 = jnp.stack([att_src1, att_dst1])
    att2 = jnp.stack([att_src2, att_dst2])

    hA, hB, al1 = _tc1(x, W0, b0.reshape(1, -1), W1, att1)
    uA, uB, dp1 = _make_sc_gat(H1 // 2)(hA, hB, al1.reshape(-1), src, dst)
    h2, al2 = _tc2(uA[:N], uB[:N], dp1[:, :N],
                   bias1.reshape(1, -1), W2, att2)
    u2, dp2 = _make_sc_gat2()(h2, al2.reshape(-1), src, dst)
    hf = _tc3(u2[0, :N], u2[1, :N], dp2.reshape(NC * NS, NP)[:, :N],
              bias2.reshape(1, -1))
    score = _make_sc_head()(hf, e0, e1)
    return score[:E]

# --- scband reference (transcript-rebuilt; emitter-appended) ---
"""Pipeline reference for scband-gcn-32779190403462 (READ-ONLY COPY).

The authoritative reference and input builder live on the scoring server;
editing this copy changes nothing except your own understanding.
"""

import jax, jax.numpy as jnp
import numpy as np

N = 10000
E = 320000
D = 128
H1 = 256
H2 = 128


def setup_inputs(seed: int = 0) -> dict:
    key = jax.random.key(seed)
    ks = jax.random.split(key, 16)
    s = 0.05
    x = jax.random.normal(ks[0], (N, D), dtype=jnp.float32)
    edge_index = jax.random.randint(ks[1], (2, E), 0, N, dtype=jnp.int64)
    edge = jax.random.randint(ks[2], (2, E), 0, N, dtype=jnp.int64)
    W0 = jax.random.normal(ks[3], (D, 256), dtype=jnp.float32) * s
    b0 = jnp.zeros((256,), dtype=jnp.float32)
    W1 = jax.random.normal(ks[4], (256, H1), dtype=jnp.float32) * s
    att_src1 = jax.random.normal(ks[5], (H1,), dtype=jnp.float32) * s
    att_dst1 = jax.random.normal(ks[6], (H1,), dtype=jnp.float32) * s
    bias1 = jnp.zeros((H1,), dtype=jnp.float32)
    W2 = jax.random.normal(ks[7], (H1, H2), dtype=jnp.float32) * s
    att_src2 = jax.random.normal(ks[8], (H2,), dtype=jnp.float32) * s
    att_dst2 = jax.random.normal(ks[9], (H2,), dtype=jnp.float32) * s
    bias2 = jnp.zeros((H2,), dtype=jnp.float32)
    return {"x": x, "edge_index": edge_index, "edge": edge,
            "W0": W0, "b0": b0,
            "W1": W1, "att_src1": att_src1, "att_dst1": att_dst1, "bias1": bias1,
            "W2": W2, "att_src2": att_src2, "att_dst2": att_dst2, "bias2": bias2}


def gat_conv(x, edge_index, W, att_src, att_dst, bias, num_nodes):
    # PyG GATConv, heads=1, concat=True, negative_slope=0.2, add_self_loops=True
    src = edge_index[0]
    dst = edge_index[1]
    loop = jnp.arange(num_nodes, dtype=src.dtype)
    src = jnp.concatenate([src, loop])
    dst = jnp.concatenate([dst, loop])
    h = x @ W
    a_src = (h * att_src).sum(axis=-1)
    a_dst = (h * att_dst).sum(axis=-1)
    alpha = jax.nn.leaky_relu(a_src[src] + a_dst[dst], negative_slope=0.2)
    m = jax.ops.segment_max(alpha, dst, num_segments=num_nodes)
    m = jnp.where(jnp.isfinite(m), m, 0.0)
    ex = jnp.exp(alpha - m[dst])
    denom = jax.ops.segment_sum(ex, dst, num_segments=num_nodes)
    coef = ex / (denom[dst] + 1e-16)
    out = jax.ops.segment_sum(coef[:, None] * h[src], dst, num_segments=num_nodes)
    return out + bias


def reference(x, edge_index, edge, W0, b0, W1, att_src1, att_dst1, bias1, W2, att_src2, att_dst2, bias2):
    n = x.shape[0]
    h = jax.nn.relu(x @ W0 + b0)
    h = jax.nn.relu(gat_conv(h, edge_index, W1, att_src1, att_dst1, bias1, n))
    h = gat_conv(h, edge_index, W2, att_src2, att_dst2, bias2, n)
    edge_features = (h[edge[0]] * h[edge[1]]).sum(axis=1)
    return jax.nn.sigmoid(edge_features)

if __name__ == "__main__":
    import jax
    _d = setup_inputs()
    print(jax.jit(kernel)(*tuple(_d.values())))

</pallas_src>

<mosaic_0001>
#map = affine_map<(d0, d1) -> (0, 0)>
#map1 = affine_map<(d0, d1) -> (0)>
module attributes {stable_mosaic.version = 14 : i64} {
  func.func @k(%arg0: i32, %arg1: i32, %arg2: memref<10000x128xf32, #tpu.memory_space<hbm>>, %arg3: memref<10000x128xf32, #tpu.memory_space<hbm>>, %arg4: memref<20000xf32, #tpu.memory_space<hbm>>, %arg5: memref<331776xi32, #tpu.memory_space<hbm>>, %arg6: memref<331776xi32, #tpu.memory_space<hbm>>, %arg7: memref<10240x128xf32, #tpu.memory_space<hbm>>, %arg8: memref<10240x128xf32, #tpu.memory_space<hbm>>, %arg9: memref<16x10240xf32, #tpu.memory_space<hbm>>, %arg10: memref<20000xf32, #tpu.memory_space<vmem>>, %arg11: memref<10240xf32, #tpu.memory_space<vmem>>, %arg12: memref<128xi32, #tpu.memory_space<vmem>>, %arg13: memref<128xi32, #tpu.memory_space<vmem>>, %arg14: memref<128xf32, #tpu.memory_space<vmem>>, %arg15: memref<128x128xf32, #tpu.memory_space<vmem>>, %arg16: memref<10240x128xf32, #tpu.memory_space<vmem_shared>>, %arg17: memref<!tpu.dma_semaphore, #tpu.memory_space<semaphore_mem>>) attributes {dimension_semantics = [#tpu.dimension_semantics<core_parallel>, #tpu.dimension_semantics<subcore_parallel>], iteration_bounds = array<i64: 2, 16>, scalar_prefetch = 0 : i64, scratch_operands = 8 : i64, tpu.core_type = #tpu.core_type<sc_vector_subcore>, window_params = [{transform_indices = #map}, {transform_indices = #map}, {transform_indices = #map1}, {transform_indices = #map1}, {transform_indices = #map1}, {transform_indices = #map}, {transform_indices = #map}, {transform_indices = #map}]} {
    %scan3A = arith.constant 0 : i32
    %scan3A_0 = arith.constant 0 : i32
    %scan3A_1 = arith.constant 128 : i32
    %scan3A_2 = arith.addi %scan3A_0, %scan3A_1 : i32
    %scan3A_3 = arith.constant 1 : i32
    scf.for %scan3A_43 = %scan3A_0 to %scan3A_2 step %scan3A_3  : i32 {
      %broadcast_in_dim3A = arith.constant 0.000000e+00 : f32
      %broadcast_in_dim3A_44 = vector.broadcast %broadcast_in_dim3A : f32 to vector<16xf32>
      %swap3A = arith.index_cast %scan3A_43 : i32 to index
      %swap3A_45 = arith.constant 0 : index
      %swap3A_46 = tpu.vector_load %arg15[%swap3A, %swap3A_45] {strides = array<i32>} : memref<128x128xf32, #tpu.memory_space<vmem>>, vector<16xf32>,
      tpu.vector_store %arg15[%swap3A, %swap3A_45], %broadcast_in_dim3A_44 {strides = array<i32>} : memref<128x128xf32, #tpu.memory_space<vmem>>, vector<16xf32>,
      %broadcast_in_dim3A_47 = arith.constant 0.000000e+00 : f32
      %broadcast_in_dim3A_48 = vector.broadcast %broadcast_in_dim3A_47 : f32 to vector<16xf32>
      %swap3A_49 = arith.index_cast %scan3A_43 : i32 to index
      %swap3A_50 = arith.constant 16 : index
      %swap3A_51 = tpu.vector_load %arg15[%swap3A_49, %swap3A_50] {strides = array<i32>} : memref<128x128xf32, #tpu.memory_space<vmem>>, vector<16xf32>,
      tpu.vector_store %arg15[%swap3A_49, %swap3A_50], %broadcast_in_dim3A_48 {strides = array<i32>} : memref<128x128xf32, #tpu.memory_space<vmem>>, vector<16xf32>,
      %broadcast_in_dim3A_52 = arith.constant 0.000000e+00 : f32
      %broadcast_in_dim3A_53 = vector.broadcast %broadcast_in_dim3A_52 : f32 to vector<16xf32>
      %swap3A_54 = arith.index_cast %scan3A_43 : i32 to index
      %swap3A_55 = arith.constant 32 : index
      %swap3A_56 = tpu.vector_load %arg15[%swap3A_54, %swap3A_55] {strides = array<i32>} : memref<128x128xf32, #tpu.memory_space<vmem>>, vector<16xf32>,
      tpu.vector_store %arg15[%swap3A_54, %swap3A_55], %broadcast_in_dim3A_53 {strides = array<i32>} : memref<128x128xf32, #tpu.memory_space<vmem>>, vector<16xf32>,
      %broadcast_in_dim3A_57 = arith.constant 0.000000e+00 : f32
      %broadcast_in_dim3A_58 = vector.broadcast %broadcast_in_dim3A_57 : f32 to vector<16xf32>
      %swap3A_59 = arith.index_cast %scan3A_43 : i32 to index
      %swap3A_60 = arith.constant 48 : index
      %swap3A_61 = tpu.vector_load %arg15[%swap3A_59, %swap3A_60] {strides = array<i32>} : memref<128x128xf32, #tpu.memory_space<vmem>>, vector<16xf32>,
      tpu.vector_store %arg15[%swap3A_59, %swap3A_60], %broadcast_in_dim3A_58 {strides = array<i32>} : memref<128x128xf32, #tpu.memory_space<vmem>>, vector<16xf32>,
      %broadcast_in_dim3A_62 = arith.constant 0.000000e+00 : f32
      %broadcast_in_dim3A_63 = vector.broadcast %broadcast_in_dim3A_62 : f32 to vector<16xf32>
      %swap3A_64 = arith.index_cast %scan3A_43 : i32 to index
      %swap3A_65 = arith.constant 64 : index
      %swap3A_66 = tpu.vector_load %arg15[%swap3A_64, %swap3A_65] {strides = array<i32>} : memref<128x128xf32, #tpu.memory_space<vmem>>, vector<16xf32>,
      tpu.vector_store %arg15[%swap3A_64, %swap3A_65], %broadcast_in_dim3A_63 {strides = array<i32>} : memref<128x128xf32, #tpu.memory_space<vmem>>, vector<16xf32>,
      %broadcast_in_dim3A_67 = arith.constant 0.000000e+00 : f32
      %broadcast_in_dim3A_68 = vector.broadcast %broadcast_in_dim3A_67 : f32 to vector<16xf32>
      %swap3A_69 = arith.index_cast %scan3A_43 : i32 to index
      %swap3A_70 = arith.constant 80 : index
      %swap3A_71 = tpu.vector_load %arg15[%swap3A_69, %swap3A_70] {strides = array<i32>} : memref<128x128xf32, #tpu.memory_space<vmem>>, vector<16xf32>,
      tpu.vector_store %arg15[%swap3A_69, %swap3A_70], %broadcast_in_dim3A_68 {strides = array<i32>} : memref<128x128xf32, #tpu.memory_space<vmem>>, vector<16xf32>,
      %broadcast_in_dim3A_72 = arith.constant 0.000000e+00 : f32
      %broadcast_in_dim3A_73 = vector.broadcast %broadcast_in_dim3A_72 : f32 to vector<16xf32>
      %swap3A_74 = arith.index_cast %scan3A_43 : i32 to index
      %swap3A_75 = arith.constant 96 : index
      %swap3A_76 = tpu.vector_load %arg15[%swap3A_74, %swap3A_75] {strides = array<i32>} : memref<128x128xf32, #tpu.memory_space<vmem>>, vector<16xf32>,
      tpu.vector_store %arg15[%swap3A_74, %swap3A_75], %broadcast_in_dim3A_73 {strides = array<i32>} : memref<128x128xf32, #tpu.memory_space<vmem>>, vector<16xf32>,
      %broadcast_in_dim3A_77 = arith.constant 0.000000e+00 : f32
      %broadcast_in_dim3A_78 = vector.broadcast %broadcast_in_dim3A_77 : f32 to vector<16xf32>
      %swap3A_79 = arith.index_cast %scan3A_43 : i32 to index
      %swap3A_80 = arith.constant 112 : index
      %swap3A_81 = tpu.vector_load %arg15[%swap3A_79, %swap3A_80] {strides = array<i32>} : memref<128x128xf32, #tpu.memory_space<vmem>>, vector<16xf32>,
      tpu.vector_store %arg15[%swap3A_79, %swap3A_80], %broadcast_in_dim3A_78 {strides = array<i32>} : memref<128x128xf32, #tpu.memory_space<vmem>>, vector<16xf32>,
    }
    %scan3A_4 = arith.constant 128 : i32
    %mul3A = arith.constant 640 : i32
    %mul3A_5 = arith.muli %arg1, %mul3A : i32
    %add3A = arith.constant 0 : i32
    %add3A_6 = arith.addi %mul3A_5, %add3A : i32
    "tpu.region"() ({
      %run_scoped3A = tpu.sem_alloc : memref<!tpu.dma_semaphore, #tpu.memory_space<semaphore_mem>>
      %dma_start3A = arith.constant 0 : i32
      %dma_start3A_43 = tpu.memref_slice %arg16[%add3A_6, %dma_start3A] : memref<10240x128xf32, #tpu.memory_space<vmem_shared>> -> memref<128x128xf32, #tpu.memory_space<vmem_shared>>
      %dma_start3A_44 = arith.constant 0 : i32
      %dma_start3A_45 = tpu.memref_slice %arg16[%add3A_6, %dma_start3A_44] : memref<10240x128xf32, #tpu.memory_space<vmem_shared>> -> memref<128x128xf32, #tpu.memory_space<vmem_shared>>
      tpu.enqueue_dma source(%arg15 : memref<128x128xf32, #tpu.memory_space<vmem>>) target(%dma_start3A_45 : memref<128x128xf32, #tpu.memory_space<vmem_shared>>) target_semaphore(%run_scoped3A : memref<!tpu.dma_semaphore, #tpu.memory_space<semaphore_mem>>)
      %dma_wait3A = arith.constant 0 : i32
      %dma_wait3A_46 = tpu.memref_slice %arg16[%add3A_6, %dma_wait3A] : memref<10240x128xf32, #tpu.memory_space<vmem_shared>> -> memref<128x128xf32, #tpu.memory_space<vmem_shared>>
      %dma_wait3A_47 = arith.constant 0 : i32
      %dma_wait3A_48 = tpu.memref_slice %arg16[%add3A_6, %dma_wait3A_47] : memref<10240x128xf32, #tpu.memory_space<vmem_shared>> -> memref<128x128xf32, #tpu.memory_space<vmem_shared>>
      tpu.wait_dma2 semaphore(%run_scoped3A : memref<!tpu.dma_semaphore, #tpu.memory_space<semaphore_mem>>) src(%arg15 : memref<128x128xf32, #tpu.memory_space<vmem>>) dst(%dma_wait3A_48 : memref<128x128xf32, #tpu.memory_space<vmem_shared>>)
      tpu.yield
    }) : () -> ()
    %mul3A_7 = arith.constant 640 : i32
    %mul3A_8 = arith.muli %arg1, %mul3A_7 : i32
    %add3A_9 = arith.constant 128 : i32
    %add3A_10 = arith.addi %mul3A_8, %add3A_9 : i32
    "tpu.region"() ({
      %run_scoped3A = tpu.sem_alloc : memref<!tpu.dma_semaphore, #tpu.memory_space<semaphore_mem>>
      %dma_start3A = arith.constant 0 : i32
      %dma_start3A_43 = tpu.memref_slice %arg16[%add3A_10, %dma_start3A] : memref<10240x128xf32, #tpu.memory_space<vmem_shared>> -> memref<128x128xf32, #tpu.memory_space<vmem_shared>>
      %dma_start3A_44 = arith.constant 0 : i32
      %dma_start3A_45 = tpu.memref_slice %arg16[%add3A_10, %dma_start3A_44] : memref<10240x128xf32, #tpu.memory_space<vmem_shared>> -> memref<128x128xf32, #tpu.memory_space<vmem_shared>>
      tpu.enqueue_dma source(%arg15 : memref<128x128xf32, #tpu.memory_space<vmem>>) target(%dma_start3A_45 : memref<128x128xf32, #tpu.memory_space<vmem_shared>>) target_semaphore(%run_scoped3A : memref<!tpu.dma_semaphore, #tpu.memory_space<semaphore_mem>>)
      %dma_wait3A = arith.constant 0 : i32
      %dma_wait3A_46 = tpu.memref_slice %arg16[%add3A_10, %dma_wait3A] : memref<10240x128xf32, #tpu.memory_space<vmem_shared>> -> memref<128x128xf32, #tpu.memory_space<vmem_shared>>
      %dma_wait3A_47 = arith.constant 0 : i32
      %dma_wait3A_48 = tpu.memref_slice %arg16[%add3A_10, %dma_wait3A_47] : memref<10240x128xf32, #tpu.memory_space<vmem_shared>> -> memref<128x128xf32, #tpu.memory_space<vmem_shared>>
      tpu.wait_dma2 semaphore(%run_scoped3A : memref<!tpu.dma_semaphore, #tpu.memory_space<semaphore_mem>>) src(%arg15 : memref<128x128xf32, #tpu.memory_space<vmem>>) dst(%dma_wait3A_48 : memref<128x128xf32, #tpu.memory_space<vmem_shared>>)
      tpu.yield
    }) : () -> ()
    %mul3A_11 = arith.constant 640 : i32
    %mul3A_12 = arith.muli %arg1, %mul3A_11 : i32
    %add3A_13 = arith.constant 256 : i32
    %add3A_14 = arith.addi %mul3A_12, %add3A_13 : i32
    "tpu.region"() ({
      %run_scoped3A = tpu.sem_alloc : memref<!tpu.dma_semaphore, #tpu.memory_space<semaphore_mem>>
      %dma_start3A = arith.constant 0 : i32
      %dma_start3A_43 = tpu.memref_slice %arg16[%add3A_14, %dma_start3A] : memref<10240x128xf32, #tpu.memory_space<vmem_shared>> -> memref<128x128xf32, #tpu.memory_space<vmem_shared>>
      %dma_start3A_44 = arith.constant 0 : i32
      %dma_start3A_45 = tpu.memref_slice %arg16[%add3A_14, %dma_start3A_44] : memref<10240x128xf32, #tpu.memory_space<vmem_shared>> -> memref<128x128xf32, #tpu.memory_space<vmem_shared>>
      tpu.enqueue_dma source(%arg15 : memref<128x128xf32, #tpu.memory_space<vmem>>) target(%dma_start3A_45 : memref<128x128xf32, #tpu.memory_space<vmem_shared>>) target_semaphore(%run_scoped3A : memref<!tpu.dma_semaphore, #tpu.memory_space<semaphore_mem>>)
      %dma_wait3A = arith.constant 0 : i32
      %dma_wait3A_46 = tpu.memref_slice %arg16[%add3A_14, %dma_wait3A] : memref<10240x128xf32, #tpu.memory_space<vmem_shared>> -> memref<128x128xf32, #tpu.memory_space<vmem_shared>>
      %dma_wait3A_47 = arith.constant 0 : i32
      %dma_wait3A_48 = tpu.memref_slice %arg16[%add3A_14, %dma_wait3A_47] : memref<10240x128xf32, #tpu.memory_space<vmem_shared>> -> memref<128x128xf32, #tpu.memory_space<vmem_shared>>
      tpu.wait_dma2 semaphore(%run_scoped3A : memref<!tpu.dma_semaphore, #tpu.memory_space<semaphore_mem>>) src(%arg15 : memref<128x128xf32, #tpu.memory_space<vmem>>) dst(%dma_wait3A_48 : memref<128x128xf32, #tpu.memory_space<vmem_shared>>)
      tpu.yield
    }) : () -> ()
    %mul3A_15 = arith.constant 640 : i32
    %mul3A_16 = arith.muli %arg1, %mul3A_15 : i32
    %add3A_17 = arith.constant 384 : i32
    %add3A_18 = arith.addi %mul3A_16, %add3A_17 : i32
    "tpu.region"() ({
      %run_scoped3A = tpu.sem_alloc : memref<!tpu.dma_semaphore, #tpu.memory_space<semaphore_mem>>
      %dma_start3A = arith.constant 0 : i32
      %dma_start3A_43 = tpu.memref_slice %arg16[%add3A_18, %dma_start3A] : memref<10240x128xf32, #tpu.memory_space<vmem_shared>> -> memref<128x128xf32, #tpu.memory_space<vmem_shared>>
      %dma_start3A_44 = arith.constant 0 : i32
      %dma_start3A_45 = tpu.memref_slice %arg16[%add3A_18, %dma_start3A_44] : memref<10240x128xf32, #tpu.memory_space<vmem_shared>> -> memref<128x128xf32, #tpu.memory_space<vmem_shared>>
      tpu.enqueue_dma source(%arg15 : memref<128x128xf32, #tpu.memory_space<vmem>>) target(%dma_start3A_45 : memref<128x128xf32, #tpu.memory_space<vmem_shared>>) target_semaphore(%run_scoped3A : memref<!tpu.dma_semaphore, #tpu.memory_space<semaphore_mem>>)
      %dma_wait3A = arith.constant 0 : i32
      %dma_wait3A_46 = tpu.memref_slice %arg16[%add3A_18, %dma_wait3A] : memref<10240x128xf32, #tpu.memory_space<vmem_shared>> -> memref<128x128xf32, #tpu.memory_space<vmem_shared>>
      %dma_wait3A_47 = arith.constant 0 : i32
      %dma_wait3A_48 = tpu.memref_slice %arg16[%add3A_18, %dma_wait3A_47] : memref<10240x128xf32, #tpu.memory_space<vmem_shared>> -> memref<128x128xf32, #tpu.memory_space<vmem_shared>>
      tpu.wait_dma2 semaphore(%run_scoped3A : memref<!tpu.dma_semaphore, #tpu.memory_space<semaphore_mem>>) src(%arg15 : memref<128x128xf32, #tpu.memory_space<vmem>>) dst(%dma_wait3A_48 : memref<128x128xf32, #tpu.memory_space<vmem_shared>>)
      tpu.yield
    }) : () -> ()
    %mul3A_19 = arith.constant 640 : i32
    %mul3A_20 = arith.muli %arg1, %mul3A_19 : i32
    %add3A_21 = arith.constant 512 : i32
    %add3A_22 = arith.addi %mul3A_20, %add3A_21 : i32
    "tpu.region"() ({
      %run_scoped3A = tpu.sem_alloc : memref<!tpu.dma_semaphore, #tpu.memory_space<semaphore_mem>>
      %dma_start3A = arith.constant 0 : i32
      %dma_start3A_43 = tpu.memref_slice %arg16[%add3A_22, %dma_start3A] : memref<10240x128xf32, #tpu.memory_space<vmem_shared>> -> memref<128x128xf32, #tpu.memory_space<vmem_shared>>
      %dma_start3A_44 = arith.constant 0 : i32
      %dma_start3A_45 = tpu.memref_slice %arg16[%add3A_22, %dma_start3A_44] : memref<10240x128xf32, #tpu.memory_space<vmem_shared>> -> memref<128x128xf32, #tpu.memory_space<vmem_shared>>
      tpu.enqueue_dma source(%arg15 : memref<128x128xf32, #tpu.memory_space<vmem>>) target(%dma_start3A_45 : memref<128x128xf32, #tpu.memory_space<vmem_shared>>) target_semaphore(%run_scoped3A : memref<!tpu.dma_semaphore, #tpu.memory_space<semaphore_mem>>)
      %dma_wait3A = arith.constant 0 : i32
      %dma_wait3A_46 = tpu.memref_slice %arg16[%add3A_22, %dma_wait3A] : memref<10240x128xf32, #tpu.memory_space<vmem_shared>> -> memref<128x128xf32, #tpu.memory_space<vmem_shared>>
      %dma_wait3A_47 = arith.constant 0 : i32
      %dma_wait3A_48 = tpu.memref_slice %arg16[%add3A_22, %dma_wait3A_47] : memref<10240x128xf32, #tpu.memory_space<vmem_shared>> -> memref<128x128xf32, #tpu.memory_space<vmem_shared>>
      tpu.wait_dma2 semaphore(%run_scoped3A : memref<!tpu.dma_semaphore, #tpu.memory_space<semaphore_mem>>) src(%arg15 : memref<128x128xf32, #tpu.memory_space<vmem>>) dst(%dma_wait3A_48 : memref<128x128xf32, #tpu.memory_space<vmem_shared>>)
      tpu.yield
    }) : () -> ()
    %scan3A_23 = arith.constant 0 : i32
    %scan3A_24 = arith.constant 0 : i32
    %scan3A_25 = arith.constant 640 : i32
    %scan3A_26 = arith.addi %scan3A_24, %scan3A_25 : i32
    %scan3A_27 = arith.constant 1 : i32
    scf.for %scan3A_43 = %scan3A_24 to %scan3A_26 step %scan3A_27  : i32 {
      %broadcast_in_dim3A = arith.constant 0.000000e+00 : f32
      %broadcast_in_dim3A_44 = vector.broadcast %broadcast_in_dim3A : f32 to vector<16xf32>
      %mul3A_45 = arith.constant 16 : i32
      %mul3A_46 = arith.muli %scan3A_43, %mul3A_45 : i32
      %swap3A = arith.index_cast %mul3A_46 : i32 to index
      %swap3A_47 = tpu.vector_load %arg11[%swap3A] {strides = array<i32>} : memref<10240xf32, #tpu.memory_space<vmem>>, vector<16xf32>,
      tpu.vector_store %arg11[%swap3A], %broadcast_in_dim3A_44 {strides = array<i32>} : memref<10240xf32, #tpu.memory_space<vmem>>, vector<16xf32>,
    }
    %scan3A_28 = arith.constant 640 : i32
    "tpu.region"() ({
      %run_scoped3A = tpu.sem_alloc : memref<!tpu.dma_semaphore, #tpu.memory_space<semaphore_mem>>
      tpu.enqueue_dma source(%arg4 : memref<20000xf32, #tpu.memory_space<hbm>>) target(%arg10 : memref<20000xf32, #tpu.memory_space<vmem>>) target_semaphore(%run_scoped3A : memref<!tpu.dma_semaphore, #tpu.memory_space<semaphore_mem>>)
      tpu.wait_dma2 semaphore(%run_scoped3A : memref<!tpu.dma_semaphore, #tpu.memory_space<semaphore_mem>>) src(%arg4 : memref<20000xf32, #tpu.memory_space<hbm>>) dst(%arg10 : memref<20000xf32, #tpu.memory_space<vmem>>)
      tpu.yield
    }) : () -> ()
    %barrier3A = arith.constant 0 : index
    tpu.barrier barrier_id(%barrier3A)
    %scan3A_29 = arith.constant 0 : i32
    %scan3A_30 = arith.constant 0 : i32
    %scan3A_31 = arith.constant 162 : i32
    %scan3A_32 = arith.addi %scan3A_30, %scan3A_31 : i32
    %scan3A_33 = arith.constant 1 : i32
    scf.for %scan3A_43 = %scan3A_30 to %scan3A_32 step %scan3A_33  : i32 {
      %mul3A_44 = arith.constant 20736 : i32
      %mul3A_45 = arith.muli %arg1, %mul3A_44 : i32
      %mul3A_46 = arith.constant 128 : i32
      %mul3A_47 = arith.muli %scan3A_43, %mul3A_46 : i32
      %add3A_48 = arith.addi %mul3A_45, %mul3A_47 : i32
      "tpu.region"() ({
        %run_scoped3A = tpu.sem_alloc : memref<!tpu.dma_semaphore, #tpu.memory_space<semaphore_mem>>
        %dma_start3A = tpu.memref_slice %arg5[%add3A_48] : memref<331776xi32, #tpu.memory_space<hbm>> -> memref<128xi32, #tpu.memory_space<hbm>>
        %dma_start3A_71 = tpu.memref_slice %arg5[%add3A_48] : memref<331776xi32, #tpu.memory_space<hbm>> -> memref<128xi32, #tpu.memory_space<hbm>>
        tpu.enqueue_dma source(%dma_start3A_71 : memref<128xi32, #tpu.memory_space<hbm>>) target(%arg12 : memref<128xi32, #tpu.memory_space<vmem>>) target_semaphore(%run_scoped3A : memref<!tpu.dma_semaphore, #tpu.memory_space<semaphore_mem>>)
        %dma_wait3A = tpu.memref_slice %arg5[%add3A_48] : memref<331776xi32, #tpu.memory_space<hbm>> -> memref<128xi32, #tpu.memory_space<hbm>>
        %dma_wait3A_72 = tpu.memref_slice %arg5[%add3A_48] : memref<331776xi32, #tpu.memory_space<hbm>> -> memref<128xi32, #tpu.memory_space<hbm>>
        tpu.wait_dma2 semaphore(%run_scoped3A : memref<!tpu.dma_semaphore, #tpu.memory_space<semaphore_mem>>) src(%dma_wait3A_72 : memref<128xi32, #tpu.memory_space<hbm>>) dst(%arg12 : memref<128xi32, #tpu.memory_space<vmem>>)
        tpu.yield
      }) : () -> ()
      "tpu.region"() ({
        %run_scoped3A = tpu.sem_alloc : memref<!tpu.dma_semaphore, #tpu.memory_space<semaphore_mem>>
        %dma_start3A = tpu.memref_slice %arg6[%add3A_48] : memref<331776xi32, #tpu.memory_space<hbm>> -> memref<128xi32, #tpu.memory_space<hbm>>
        %dma_start3A_71 = tpu.memref_slice %arg6[%add3A_48] : memref<331776xi32, #tpu.memory_space<hbm>> -> memref<128xi32, #tpu.memory_space<hbm>>
        tpu.enqueue_dma source(%dma_start3A_71 : memref<128xi32, #tpu.memory_space<hbm>>) target(%arg13 : memref<128xi32, #tpu.memory_space<vmem>>) target_semaphore(%run_scoped3A : memref<!tpu.dma_semaphore, #tpu.memory_space<semaphore_mem>>)
        %dma_wait3A = tpu.memref_slice %arg6[%add3A_48] : memref<331776xi32, #tpu.memory_space<hbm>> -> memref<128xi32, #tpu.memory_space<hbm>>
        %dma_wait3A_72 = tpu.memref_slice %arg6[%add3A_48] : memref<331776xi32, #tpu.memory_space<hbm>> -> memref<128xi32, #tpu.memory_space<hbm>>
        tpu.wait_dma2 semaphore(%run_scoped3A : memref<!tpu.dma_semaphore, #tpu.memory_space<semaphore_mem>>) src(%dma_wait3A_72 : memref<128xi32, #tpu.memory_space<hbm>>) dst(%arg13 : memref<128xi32, #tpu.memory_space<vmem>>)
        tpu.yield
      }) : () -> ()
      %eq3A_49 = arith.constant 0 : i32
      %eq3A_50 = arith.cmpi eq, %arg0, %eq3A_49 : i32
      %convert_element_type3A_51 = arith.extui %eq3A_50 : i1 to i32
      %cond3A_52 = arith.constant 0 : i32
      %cond3A_53 = arith.cmpi ne, %convert_element_type3A_51, %cond3A_52 : i32
      scf.if %cond3A_53 {
        %dma_start3A = arith.constant 0 : i32
        %dma_start3A_71 = arith.constant 0 : i32
        %dma_start3A_72 = tpu.memref_slice %arg2[%dma_start3A, %dma_start3A_71] : memref<10000x128xf32, #tpu.memory_space<hbm>> -> memref<10000x128xf32, #tpu.memory_space<hbm>>
        tpu.enqueue_indirect_dma source(%dma_start3A_72 : memref<10000x128xf32, #tpu.memory_space<hbm>>) target(%arg15 : memref<128x128xf32, #tpu.memory_space<vmem>>) offsets(%arg12 : memref<128xi32, #tpu.memory_space<vmem>>) semaphore(%arg17 : memref<!tpu.dma_semaphore, #tpu.memory_space<semaphore_mem>>)
        %dma_wait3A = arith.constant 0 : i32
        %dma_wait3A_73 = arith.constant 0 : i32
        %dma_wait3A_74 = tpu.memref_slice %arg2[%dma_wait3A, %dma_wait3A_73] : memref<10000x128xf32, #tpu.memory_space<hbm>> -> memref<10000x128xf32, #tpu.memory_space<hbm>>
        tpu.wait_indirect_dma semaphore(%arg17 : memref<!tpu.dma_semaphore, #tpu.memory_space<semaphore_mem>>) src(%dma_wait3A_74 : memref<10000x128xf32, #tpu.memory_space<hbm>>) dst(%arg15 : memref<128x128xf32, #tpu.memory_space<vmem>>)
      } else {
      }
      %eq3A_54 = arith.constant 1 : i32
      %eq3A_55 = arith.cmpi eq, %arg0, %eq3A_54 : i32
      %convert_element_type3A_56 = arith.extui %eq3A_55 : i1 to i32
      %cond3A_57 = arith.constant 0 : i32
      %cond3A_58 = arith.cmpi ne, %convert_element_type3A_56, %cond3A_57 : i32
      scf.if %cond3A_58 {
        %dma_start3A = arith.constant 0 : i32
        %dma_start3A_71 = arith.constant 0 : i32
        %dma_start3A_72 = tpu.memref_slice %arg3[%dma_start3A, %dma_start3A_71] : memref<10000x128xf32, #tpu.memory_space<hbm>> -> memref<10000x128xf32, #tpu.memory_space<hbm>>
        tpu.enqueue_indirect_dma source(%dma_start3A_72 : memref<10000x128xf32, #tpu.memory_space<hbm>>) target(%arg15 : memref<128x128xf32, #tpu.memory_space<vmem>>) offsets(%arg12 : memref<128xi32, #tpu.memory_space<vmem>>) semaphore(%arg17 : memref<!tpu.dma_semaphore, #tpu.memory_space<semaphore_mem>>)
        %dma_wait3A = arith.constant 0 : i32
        %dma_wait3A_73 = arith.constant 0 : i32
        %dma_wait3A_74 = tpu.memref_slice %arg3[%dma_wait3A, %dma_wait3A_73] : memref<10000x128xf32, #tpu.memory_space<hbm>> -> memref<10000x128xf32, #tpu.memory_space<hbm>>
        tpu.wait_indirect_dma semaphore(%arg17 : memref<!tpu.dma_semaphore, #tpu.memory_space<semaphore_mem>>) src(%dma_wait3A_74 : memref<10000x128xf32, #tpu.memory_space<hbm>>) dst(%arg15 : memref<128x128xf32, #tpu.memory_space<vmem>>)
      } else {
      }
      %scan3A_59 = arith.constant 0 : i32
      %scan3A_60 = arith.constant 0 : i32
      %scan3A_61 = arith.constant 8 : i32
      %scan3A_62 = arith.addi %scan3A_60, %scan3A_61 : i32
      %scan3A_63 = arith.constant 1 : i32
      scf.for %scan3A_71 = %scan3A_60 to %scan3A_62 step %scan3A_63  : i32 {
        %mul3A_72 = arith.constant 16 : i32
        %mul3A_73 = arith.muli %scan3A_71, %mul3A_72 : i32
        %get3A = arith.index_cast %mul3A_73 : i32 to index
        %get3A_74 = tpu.vector_load %arg12[%get3A] {strides = array<i32>} : memref<128xi32, #tpu.memory_space<vmem>>, vector<16xi32>,
        %mul3A_75 = arith.constant 16 : i32
        %mul3A_76 = arith.muli %scan3A_71, %mul3A_75 : i32
        %get3A_77 = arith.index_cast %mul3A_76 : i32 to index
        %get3A_78 = tpu.vector_load %arg13[%get3A_77] {strides = array<i32>} : memref<128xi32, #tpu.memory_space<vmem>>, vector<16xi32>,
        %mul3A_79 = arith.constant 2 : i32
        %mul3A_80 = vector.broadcast %mul3A_79 : i32 to vector<16xi32>
        %mul3A_81 = arith.muli %get3A_74, %mul3A_80 : vector<16xi32>
        %gather3A = tpu.vector_load_idx %arg10[%mul3A_81] : memref<20000xf32, #tpu.memory_space<vmem>>[vector<16xi32>], vector<16xf32>,
        %mul3A_82 = arith.constant 2 : i32
        %mul3A_83 = vector.broadcast %mul3A_82 : i32 to vector<16xi32>
        %mul3A_84 = arith.muli %get3A_78, %mul3A_83 : vector<16xi32>
        %add3A_85 = arith.constant 1 : i32
        %add3A_86 = vector.broadcast %add3A_85 : i32 to vector<16xi32>
        %add3A_87 = arith.addi %mul3A_84, %add3A_86 : vector<16xi32>
        %gather3A_88 = tpu.vector_load_idx %arg10[%add3A_87] : memref<20000xf32, #tpu.memory_space<vmem>>[vector<16xi32>], vector<16xf32>,
        %add3A_89 = arith.addf %gather3A, %gather3A_88 : vector<16xf32>
        %gt3A = arith.constant 0.000000e+00 : f32
        %gt3A_90 = vector.broadcast %gt3A : f32 to vector<16xf32>
        %gt3A_91 = arith.cmpf ogt, %add3A_89, %gt3A_90 : vector<16xf32>
        %mul3A_92 = arith.constant 2.000000e-01 : f32
        %mul3A_93 = vector.broadcast %mul3A_92 : f32 to vector<16xf32>
        %mul3A_94 = arith.mulf %mul3A_93, %add3A_89 : vector<16xf32>
        %select_n3A = arith.select %gt3A_91, %add3A_89, %mul3A_94 : vector<16xi1>, vector<16xf32>
        %exp3A = math.exp %select_n3A : vector<16xf32>
        %mul3A_95 = arith.constant 16 : i32
        %mul3A_96 = arith.muli %scan3A_71, %mul3A_95 : i32
        %add3A_97 = arith.addi %add3A_48, %mul3A_96 : i32
        %iota3A = tpu.iota {dimensions = array<i32: 0>} : vector<16xi32>
        %add3A_98 = vector.broadcast %add3A_97 : i32 to vector<16xi32>
        %add3A_99 = arith.addi %add3A_98, %iota3A : vector<16xi32>
        %lt3A = arith.constant 330000 : i32
        %lt3A_100 = vector.broadcast %lt3A : i32 to vector<16xi32>
        %lt3A_101 = arith.cmpi slt, %add3A_99, %lt3A_100 : vector<16xi32>
        %jit3A = arith.constant 0.000000e+00 : f32
        %broadcast_in_dim3A = vector.broadcast %jit3A : f32 to vector<16xf32>
        %select_n3A_102 = arith.select %lt3A_101, %exp3A, %broadcast_in_dim3A : vector<16xi1>, vector<16xf32>
        %mul3A_103 = arith.constant 16 : i32
        %mul3A_104 = arith.muli %scan3A_71, %mul3A_103 : i32
        %swap3A = arith.index_cast %mul3A_104 : i32 to index
        %swap3A_105 = tpu.vector_load %arg14[%swap3A] {strides = array<i32>} : memref<128xf32, #tpu.memory_space<vmem>>, vector<16xf32>,
        tpu.vector_store %arg14[%swap3A], %select_n3A_102 {strides = array<i32>} : memref<128xf32, #tpu.memory_space<vmem>>, vector<16xf32>,
        %eq3A_106 = arith.constant 0 : i32
        %eq3A_107 = arith.cmpi eq, %arg0, %eq3A_106 : i32
        %convert_element_type3A_108 = arith.extui %eq3A_107 : i1 to i32
        %cond3A_109 = arith.constant 0 : i32
        %cond3A_110 = arith.cmpi ne, %convert_element_type3A_108, %cond3A_109 : i32
        scf.if %cond3A_110 {
          tpu.vector_store_idx %arg11[%get3A_78], %select_n3A_102 {add = true} : memref<10240xf32, #tpu.memory_space<vmem>>[vector<16xi32>], vector<16xf32>,
        } else {
        }
      }
      %scan3A_64 = arith.constant 8 : i32
      %scan3A_65 = arith.constant 0 : i32
      %scan3A_66 = arith.constant 0 : i32
      %scan3A_67 = arith.constant 128 : i32
      %scan3A_68 = arith.addi %scan3A_66, %scan3A_67 : i32
      %scan3A_69 = arith.constant 1 : i32
      scf.for %scan3A_71 = %scan3A_66 to %scan3A_68 step %scan3A_69  : i32 {
        %broadcast_in_dim3A = vector.broadcast %scan3A_71 : i32 to vector<16xi32>
        %gather3A = tpu.vector_load_idx %arg14[%broadcast_in_dim3A] : memref<128xf32, #tpu.memory_space<vmem>>[vector<16xi32>], vector<16xf32>,
        %get3A = arith.index_cast %scan3A_71 : i32 to index
        %get3A_72 = arith.constant 0 : index
        %get3A_73 = tpu.vector_load %arg15[%get3A, %get3A_72] {strides = array<i32>} : memref<128x128xf32, #tpu.memory_space<vmem>>, vector<16xf32>,
        %mul3A_74 = arith.mulf %get3A_73, %gather3A : vector<16xf32>
        %swap3A = arith.index_cast %scan3A_71 : i32 to index
        %swap3A_75 = arith.constant 0 : index
        %swap3A_76 = tpu.vector_load %arg15[%swap3A, %swap3A_75] {strides = array<i32>} : memref<128x128xf32, #tpu.memory_space<vmem>>, vector<16xf32>,
        tpu.vector_store %arg15[%swap3A, %swap3A_75], %mul3A_74 {strides = array<i32>} : memref<128x128xf32, #tpu.memory_space<vmem>>, vector<16xf32>,
        %get3A_77 = arith.index_cast %scan3A_71 : i32 to index
        %get3A_78 = arith.constant 16 : index
        %get3A_79 = tpu.vector_load %arg15[%get3A_77, %get3A_78] {strides = array<i32>} : memref<128x128xf32, #tpu.memory_space<vmem>>, vector<16xf32>,
        %mul3A_80 = arith.mulf %get3A_79, %gather3A : vector<16xf32>
        %swap3A_81 = arith.index_cast %scan3A_71 : i32 to index
        %swap3A_82 = arith.constant 16 : index
        %swap3A_83 = tpu.vector_load %arg15[%swap3A_81, %swap3A_82] {strides = array<i32>} : memref<128x128xf32, #tpu.memory_space<vmem>>, vector<16xf32>,
        tpu.vector_store %arg15[%swap3A_81, %swap3A_82], %mul3A_80 {strides = array<i32>} : memref<128x128xf32, #tpu.memory_space<vmem>>, vector<16xf32>,
        %get3A_84 = arith.index_cast %scan3A_71 : i32 to index
        %get3A_85 = arith.constant 32 : index
        %get3A_86 = tpu.vector_load %arg15[%get3A_84, %get3A_85] {strides = array<i32>} : memref<128x128xf32, #tpu.memory_space<vmem>>, vector<16xf32>,
        %mul3A_87 = arith.mulf %get3A_86, %gather3A : vector<16xf32>
        %swap3A_88 = arith.index_cast %scan3A_71 : i32 to index
        %swap3A_89 = arith.constant 32 : index
        %swap3A_90 = tpu.vector_load %arg15[%swap3A_88, %swap3A_89] {strides = array<i32>} : memref<128x128xf32, #tpu.memory_space<vmem>>, vector<16xf32>,
        tpu.vector_store %arg15[%swap3A_88, %swap3A_89], %mul3A_87 {strides = array<i32>} : memref<128x128xf32, #tpu.memory_space<vmem>>, vector<16xf32>,
        %get3A_91 = arith.index_cast %scan3A_71 : i32 to index
        %get3A_92 = arith.constant 48 : index
        %get3A_93 = tpu.vector_load %arg15[%get3A_91, %get3A_92] {strides = array<i32>} : memref<128x128xf32, #tpu.memory_space<vmem>>, vector<16xf32>,
        %mul3A_94 = arith.mulf %get3A_93, %gather3A : vector<16xf32>
        %swap3A_95 = arith.index_cast %scan3A_71 : i32 to index
        %swap3A_96 = arith.constant 48 : index
        %swap3A_97 = tpu.vector_load %arg15[%swap3A_95, %swap3A_96] {strides = array<i32>} : memref<128x128xf32, #tpu.memory_space<vmem>>, vector<16xf32>,
        tpu.vector_store %arg15[%swap3A_95, %swap3A_96], %mul3A_94 {strides = array<i32>} : memref<128x128xf32, #tpu.memory_space<vmem>>, vector<16xf32>,
        %get3A_98 = arith.index_cast %scan3A_71 : i32 to index
        %get3A_99 = arith.constant 64 : index
        %get3A_100 = tpu.vector_load %arg15[%get3A_98, %get3A_99] {strides = array<i32>} : memref<128x128xf32, #tpu.memory_space<vmem>>, vector<16xf32>,
        %mul3A_101 = arith.mulf %get3A_100, %gather3A : vector<16xf32>
        %swap3A_102 = arith.index_cast %scan3A_71 : i32 to index
        %swap3A_103 = arith.constant 64 : index
        %swap3A_104 = tpu.vector_load %arg15[%swap3A_102, %swap3A_103] {strides = array<i32>} : memref<128x128xf32, #tpu.memory_space<vmem>>, vector<16xf32>,
        tpu.vector_store %arg15[%swap3A_102, %swap3A_103], %mul3A_101 {strides = array<i32>} : memref<128x128xf32, #tpu.memory_space<vmem>>, vector<16xf32>,
        %get3A_105 = arith.index_cast %scan3A_71 : i32 to index
        %get3A_106 = arith.constant 80 : index
        %get3A_107 = tpu.vector_load %arg15[%get3A_105, %get3A_106] {strides = array<i32>} : memref<128x128xf32, #tpu.memory_space<vmem>>, vector<16xf32>,
        %mul3A_108 = arith.mulf %get3A_107, %gather3A : vector<16xf32>
        %swap3A_109 = arith.index_cast %scan3A_71 : i32 to index
        %swap3A_110 = arith.constant 80 : index
        %swap3A_111 = tpu.vector_load %arg15[%swap3A_109, %swap3A_110] {strides = array<i32>} : memref<128x128xf32, #tpu.memory_space<vmem>>, vector<16xf32>,
        tpu.vector_store %arg15[%swap3A_109, %swap3A_110], %mul3A_108 {strides = array<i32>} : memref<128x128xf32, #tpu.memory_space<vmem>>, vector<16xf32>,
        %get3A_112 = arith.index_cast %scan3A_71 : i32 to index
        %get3A_113 = arith.constant 96 : index
        %get3A_114 = tpu.vector_load %arg15[%get3A_112, %get3A_113] {strides = array<i32>} : memref<128x128xf32, #tpu.memory_space<vmem>>, vector<16xf32>,
        %mul3A_115 = arith.mulf %get3A_114, %gather3A : vector<16xf32>
        %swap3A_116 = arith.index_cast %scan3A_71 : i32 to index
        %swap3A_117 = arith.constant 96 : index
        %swap3A_118 = tpu.vector_load %arg15[%swap3A_116, %swap3A_117] {strides = array<i32>} : memref<128x128xf32, #tpu.memory_space<vmem>>, vector<16xf32>,
        tpu.vector_store %arg15[%swap3A_116, %swap3A_117], %mul3A_115 {strides = array<i32>} : memref<128x128xf32, #tpu.memory_space<vmem>>, vector<16xf32>,
        %get3A_119 = arith.index_cast %scan3A_71 : i32 to index
        %get3A_120 = arith.constant 112 : index
        %get3A_121 = tpu.vector_load %arg15[%get3A_119, %get3A_120] {strides = array<i32>} : memref<128x128xf32, #tpu.memory_space<vmem>>, vector<16xf32>,
        %mul3A_122 = arith.mulf %get3A_121, %gather3A : vector<16xf32>
        %swap3A_123 = arith.index_cast %scan3A_71 : i32 to index
        %swap3A_124 = arith.constant 112 : index
        %swap3A_125 = tpu.vector_load %arg15[%swap3A_123, %swap3A_124] {strides = array<i32>} : memref<128x128xf32, #tpu.memory_space<vmem>>, vector<16xf32>,
        tpu.vector_store %arg15[%swap3A_123, %swap3A_124], %mul3A_122 {strides = array<i32>} : memref<128x128xf32, #tpu.memory_space<vmem>>, vector<16xf32>,
      }
      %scan3A_70 = arith.constant 128 : i32
      "tpu.region"() ({
        %run_scoped3A = tpu.sem_alloc : memref<!tpu.dma_semaphore, #tpu.memory_space<semaphore_mem>>
        %dma_start3A = arith.constant 0 : i32
        %dma_start3A_71 = arith.constant 0 : i32
        %dma_start3A_72 = tpu.memref_slice %arg16[%dma_start3A, %dma_start3A_71] : memref<10240x128xf32, #tpu.memory_space<vmem_shared>> -> memref<10240x128xf32, #tpu.memory_space<vmem_shared>>
        tpu.enqueue_indirect_dma source(%arg15 : memref<128x128xf32, #tpu.memory_space<vmem>>) target(%dma_start3A_72 : memref<10240x128xf32, #tpu.memory_space<vmem_shared>>) offsets(%arg13 : memref<128xi32, #tpu.memory_space<vmem>>) semaphore(%run_scoped3A : memref<!tpu.dma_semaphore, #tpu.memory_space<semaphore_mem>>) {add = true}
        %dma_wait3A = arith.constant 0 : i32
        %dma_wait3A_73 = arith.constant 0 : i32
        %dma_wait3A_74 = tpu.memref_slice %arg16[%dma_wait3A, %dma_wait3A_73] : memref<10240x128xf32, #tpu.memory_space<vmem_shared>> -> memref<10240x128xf32, #tpu.memory_space<vmem_shared>>
        tpu.wait_indirect_dma semaphore(%run_scoped3A : memref<!tpu.dma_semaphore, #tpu.memory_space<semaphore_mem>>) src(%arg15 : memref<128x128xf32, #tpu.memory_space<vmem>>) dst(%dma_wait3A_74 : memref<10240x128xf32, #tpu.memory_space<vmem_shared>>)
        tpu.yield
      }) : () -> ()
    }
    %scan3A_34 = arith.constant 162 : i32
    %barrier3A_35 = arith.constant 0 : index
    tpu.barrier barrier_id(%barrier3A_35)
    %eq3A = arith.constant 0 : i32
    %eq3A_36 = arith.cmpi eq, %arg0, %eq3A : i32
    %convert_element_type3A = arith.extui %eq3A_36 : i1 to i32
    %cond3A = arith.constant 0 : i32
    %cond3A_37 = arith.cmpi ne, %convert_element_type3A, %cond3A : i32
    scf.if %cond3A_37 {
      %mul3A_43 = arith.constant 640 : i32
      %mul3A_44 = arith.muli %arg1, %mul3A_43 : i32
      %mul3A_45 = arith.constant 640 : i32
      %mul3A_46 = arith.muli %arg1, %mul3A_45 : i32
      "tpu.region"() ({
        %run_scoped3A = tpu.sem_alloc : memref<!tpu.dma_semaphore, #tpu.memory_space<semaphore_mem>>
        %dma_start3A = arith.constant 0 : i32
        %dma_start3A_47 = tpu.memref_slice %arg7[%mul3A_46, %dma_start3A] : memref<10240x128xf32, #tpu.memory_space<hbm>> -> memref<640x128xf32, #tpu.memory_space<hbm>>
        %dma_start3A_48 = arith.constant 0 : i32
        %dma_start3A_49 = tpu.memref_slice %arg16[%mul3A_44, %dma_start3A_48] : memref<10240x128xf32, #tpu.memory_space<vmem_shared>> -> memref<640x128xf32, #tpu.memory_space<vmem_shared>>
        tpu.enqueue_dma source(%dma_start3A_49 : memref<640x128xf32, #tpu.memory_space<vmem_shared>>) target(%dma_start3A_47 : memref<640x128xf32, #tpu.memory_space<hbm>>) target_semaphore(%run_scoped3A : memref<!tpu.dma_semaphore, #tpu.memory_space<semaphore_mem>>)
        %dma_wait3A = arith.constant 0 : i32
        %dma_wait3A_50 = tpu.memref_slice %arg7[%mul3A_46, %dma_wait3A] : memref<10240x128xf32, #tpu.memory_space<hbm>> -> memref<640x128xf32, #tpu.memory_space<hbm>>
        %dma_wait3A_51 = arith.constant 0 : i32
        %dma_wait3A_52 = tpu.memref_slice %arg16[%mul3A_44, %dma_wait3A_51] : memref<10240x128xf32, #tpu.memory_space<vmem_shared>> -> memref<640x128xf32, #tpu.memory_space<vmem_shared>>
        tpu.wait_dma2 semaphore(%run_scoped3A : memref<!tpu.dma_semaphore, #tpu.memory_space<semaphore_mem>>) src(%dma_wait3A_52 : memref<640x128xf32, #tpu.memory_space<vmem_shared>>) dst(%dma_wait3A_50 : memref<640x128xf32, #tpu.memory_space<hbm>>)
        tpu.yield
      }) : () -> ()
      "tpu.region"() ({
        %run_scoped3A = tpu.sem_alloc : memref<!tpu.dma_semaphore, #tpu.memory_space<semaphore_mem>>
        %dma_start3A = arith.constant 0 : i32
        %dma_start3A_47 = tpu.memref_slice %arg9[%arg1, %dma_start3A] : memref<16x10240xf32, #tpu.memory_space<hbm>> -> memref<1x10240xf32, #tpu.memory_space<hbm>>
        %dma_start3A_48 = tpu.memref_squeeze %dma_start3A_47 : memref<1x10240xf32, #tpu.memory_space<hbm>> -> memref<10240xf32, #tpu.memory_space<hbm>>
        %dma_start3A_49 = arith.constant 0 : i32
        %dma_start3A_50 = tpu.memref_slice %arg9[%arg1, %dma_start3A_49] : memref<16x10240xf32, #tpu.memory_space<hbm>> -> memref<1x10240xf32, #tpu.memory_space<hbm>>
        %dma_start3A_51 = tpu.memref_squeeze %dma_start3A_50 : memref<1x10240xf32, #tpu.memory_space<hbm>> -> memref<10240xf32, #tpu.memory_space<hbm>>
        tpu.enqueue_dma source(%arg11 : memref<10240xf32, #tpu.memory_space<vmem>>) target(%dma_start3A_51 : memref<10240xf32, #tpu.memory_space<hbm>>) target_semaphore(%run_scoped3A : memref<!tpu.dma_semaphore, #tpu.memory_space<semaphore_mem>>)
        %dma_wait3A = arith.constant 0 : i32
        %dma_wait3A_52 = tpu.memref_slice %arg9[%arg1, %dma_wait3A] : memref<16x10240xf32, #tpu.memory_space<hbm>> -> memref<1x10240xf32, #tpu.memory_space<hbm>>
        %dma_wait3A_53 = tpu.memref_squeeze %dma_wait3A_52 : memref<1x10240xf32, #tpu.memory_space<hbm>> -> memref<10240xf32, #tpu.memory_space<hbm>>
        %dma_wait3A_54 = arith.constant 0 : i32
        %dma_wait3A_55 = tpu.memref_slice %arg9[%arg1, %dma_wait3A_54] : memref<16x10240xf32, #tpu.memory_space<hbm>> -> memref<1x10240xf32, #tpu.memory_space<hbm>>
        %dma_wait3A_56 = tpu.memref_squeeze %dma_wait3A_55 : memref<1x10240xf32, #tpu.memory_space<hbm>> -> memref<10240xf32, #tpu.memory_space<hbm>>
        tpu.wait_dma2 semaphore(%run_scoped3A : memref<!tpu.dma_semaphore, #tpu.memory_space<semaphore_mem>>) src(%arg11 : memref<10240xf32, #tpu.memory_space<vmem>>) dst(%dma_wait3A_56 : memref<10240xf32, #tpu.memory_space<hbm>>)
        tpu.yield
      }) : () -> ()
    } else {
    }
    %eq3A_38 = arith.constant 1 : i32
    %eq3A_39 = arith.cmpi eq, %arg0, %eq3A_38 : i32
    %convert_element_type3A_40 = arith.extui %eq3A_39 : i1 to i32
    %cond3A_41 = arith.constant 0 : i32
    %cond3A_42 = arith.cmpi ne, %convert_element_type3A_40, %cond3A_41 : i32
    scf.if %cond3A_42 {
      %mul3A_43 = arith.constant 640 : i32
      %mul3A_44 = arith.muli %arg1, %mul3A_43 : i32
      %mul3A_45 = arith.constant 640 : i32
      %mul3A_46 = arith.muli %arg1, %mul3A_45 : i32
      "tpu.region"() ({
        %run_scoped3A = tpu.sem_alloc : memref<!tpu.dma_semaphore, #tpu.memory_space<semaphore_mem>>
        %dma_start3A = arith.constant 0 : i32
        %dma_start3A_47 = tpu.memref_slice %arg8[%mul3A_46, %dma_start3A] : memref<10240x128xf32, #tpu.memory_space<hbm>> -> memref<640x128xf32, #tpu.memory_space<hbm>>
        %dma_start3A_48 = arith.constant 0 : i32
        %dma_start3A_49 = tpu.memref_slice %arg16[%mul3A_44, %dma_start3A_48] : memref<10240x128xf32, #tpu.memory_space<vmem_shared>> -> memref<640x128xf32, #tpu.memory_space<vmem_shared>>
        tpu.enqueue_dma source(%dma_start3A_49 : memref<640x128xf32, #tpu.memory_space<vmem_shared>>) target(%dma_start3A_47 : memref<640x128xf32, #tpu.memory_space<hbm>>) target_semaphore(%run_scoped3A : memref<!tpu.dma_semaphore, #tpu.memory_space<semaphore_mem>>)
        %dma_wait3A = arith.constant 0 : i32
        %dma_wait3A_50 = tpu.memref_slice %arg8[%mul3A_46, %dma_wait3A] : memref<10240x128xf32, #tpu.memory_space<hbm>> -> memref<640x128xf32, #tpu.memory_space<hbm>>
        %dma_wait3A_51 = arith.constant 0 : i32
        %dma_wait3A_52 = tpu.memref_slice %arg16[%mul3A_44, %dma_wait3A_51] : memref<10240x128xf32, #tpu.memory_space<vmem_shared>> -> memref<640x128xf32, #tpu.memory_space<vmem_shared>>
        tpu.wait_dma2 semaphore(%run_scoped3A : memref<!tpu.dma_semaphore, #tpu.memory_space<semaphore_mem>>) src(%dma_wait3A_52 : memref<640x128xf32, #tpu.memory_space<vmem_shared>>) dst(%dma_wait3A_50 : memref<640x128xf32, #tpu.memory_space<hbm>>)
        tpu.yield
      }) : () -> ()
    } else {
    }
    return
  }
}

#map = affine_map<(d0, d1) -> (0, 0)>
#map1 = affine_map<(d0, d1) -> (0)>
#map2 = affine_map<(d0, d1) -> (0, 0, 0)>
module attributes {stable_mosaic.version = 14 : i64} {
  func.func @k(%arg0: i32, %arg1: i32, %arg2: memref<10000x128xf32, #tpu.memory_space<hbm>>, %arg3: memref<20000xf32, #tpu.memory_space<hbm>>, %arg4: memref<331776xi32, #tpu.memory_space<hbm>>, %arg5: memref<331776xi32, #tpu.memory_space<hbm>>, %arg6: memref<2x10240x128xf32, #tpu.memory_space<hbm>>, %arg7: memref<2x16x10240xf32, #tpu.memory_space<hbm>>, %arg8: memref<20000xf32, #tpu.memory_space<vmem>>, %arg9: memref<10240xf32, #tpu.memory_space<vmem>>, %arg10: memref<128xi32, #tpu.memory_space<vmem>>, %arg11: memref<128xi32, #tpu.memory_space<vmem>>, %arg12: memref<128xf32, #tpu.memory_space<vmem>>, %arg13: memref<128x128xf32, #tpu.memory_space<vmem>>, %arg14: memref<10240x128xf32, #tpu.memory_space<vmem_shared>>, %arg15: memref<!tpu.dma_semaphore, #tpu.memory_space<semaphore_mem>>) attributes {dimension_semantics = [#tpu.dimension_semantics<core_parallel>, #tpu.dimension_semantics<subcore_parallel>], iteration_bounds = array<i64: 2, 16>, scalar_prefetch = 0 : i64, scratch_operands = 8 : i64, tpu.core_type = #tpu.core_type<sc_vector_subcore>, window_params = [{transform_indices = #map}, {transform_indices = #map1}, {transform_indices = #map1}, {transform_indices = #map1}, {transform_indices = #map2}, {transform_indices = #map2}]} {
    %mul3A = arith.constant 16 : i32
    %mul3A_0 = arith.muli %arg0, %mul3A : i32
    %add3A = arith.addi %mul3A_0, %arg1 : i32
    %scan3A = arith.constant 0 : i32
    %scan3A_1 = arith.constant 0 : i32
    %scan3A_2 = arith.constant 128 : i32
    %scan3A_3 = arith.addi %scan3A_1, %scan3A_2 : i32
    %scan3A_4 = arith.constant 1 : i32
    scf.for %scan3A_43 = %scan3A_1 to %scan3A_3 step %scan3A_4  : i32 {
      %broadcast_in_dim3A = arith.constant 0.000000e+00 : f32
      %broadcast_in_dim3A_44 = vector.broadcast %broadcast_in_dim3A : f32 to vector<16xf32>
      %swap3A = arith.index_cast %scan3A_43 : i32 to index
      %swap3A_45 = arith.constant 0 : index
      %swap3A_46 = tpu.vector_load %arg13[%swap3A, %swap3A_45] {strides = array<i32>} : memref<128x128xf32, #tpu.memory_space<vmem>>, vector<16xf32>,
      tpu.vector_store %arg13[%swap3A, %swap3A_45], %broadcast_in_dim3A_44 {strides = array<i32>} : memref<128x128xf32, #tpu.memory_space<vmem>>, vector<16xf32>,
      %broadcast_in_dim3A_47 = arith.constant 0.000000e+00 : f32
      %broadcast_in_dim3A_48 = vector.broadcast %broadcast_in_dim3A_47 : f32 to vector<16xf32>
      %swap3A_49 = arith.index_cast %scan3A_43 : i32 to index
      %swap3A_50 = arith.constant 16 : index
      %swap3A_51 = tpu.vector_load %arg13[%swap3A_49, %swap3A_50] {strides = array<i32>} : memref<128x128xf32, #tpu.memory_space<vmem>>, vector<16xf32>,
      tpu.vector_store %arg13[%swap3A_49, %swap3A_50], %broadcast_in_dim3A_48 {strides = array<i32>} : memref<128x128xf32, #tpu.memory_space<vmem>>, vector<16xf32>,
      %broadcast_in_dim3A_52 = arith.constant 0.000000e+00 : f32
      %broadcast_in_dim3A_53 = vector.broadcast %broadcast_in_dim3A_52 : f32 to vector<16xf32>
      %swap3A_54 = arith.index_cast %scan3A_43 : i32 to index
      %swap3A_55 = arith.constant 32 : index
      %swap3A_56 = tpu.vector_load %arg13[%swap3A_54, %swap3A_55] {strides = array<i32>} : memref<128x128xf32, #tpu.memory_space<vmem>>, vector<16xf32>,
      tpu.vector_store %arg13[%swap3A_54, %swap3A_55], %broadcast_in_dim3A_53 {strides = array<i32>} : memref<128x128xf32, #tpu.memory_space<vmem>>, vector<16xf32>,
      %broadcast_in_dim3A_57 = arith.constant 0.000000e+00 : f32
      %broadcast_in_dim3A_58 = vector.broadcast %broadcast_in_dim3A_57 : f32 to vector<16xf32>
      %swap3A_59 = arith.index_cast %scan3A_43 : i32 to index
      %swap3A_60 = arith.constant 48 : index
      %swap3A_61 = tpu.vector_load %arg13[%swap3A_59, %swap3A_60] {strides = array<i32>} : memref<128x128xf32, #tpu.memory_space<vmem>>, vector<16xf32>,
      tpu.vector_store %arg13[%swap3A_59, %swap3A_60], %broadcast_in_dim3A_58 {strides = array<i32>} : memref<128x128xf32, #tpu.memory_space<vmem>>, vector<16xf32>,
      %broadcast_in_dim3A_62 = arith.constant 0.000000e+00 : f32
      %broadcast_in_dim3A_63 = vector.broadcast %broadcast_in_dim3A_62 : f32 to vector<16xf32>
      %swap3A_64 = arith.index_cast %scan3A_43 : i32 to index
      %swap3A_65 = arith.constant 64 : index
      %swap3A_66 = tpu.vector_load %arg13[%swap3A_64, %swap3A_65] {strides = array<i32>} : memref<128x128xf32, #tpu.memory_space<vmem>>, vector<16xf32>,
      tpu.vector_store %arg13[%swap3A_64, %swap3A_65], %broadcast_in_dim3A_63 {strides = array<i32>} : memref<128x128xf32, #tpu.memory_space<vmem>>, vector<16xf32>,
      %broadcast_in_dim3A_67 = arith.constant 0.000000e+00 : f32
      %broadcast_in_dim3A_68 = vector.broadcast %broadcast_in_dim3A_67 : f32 to vector<16xf32>
      %swap3A_69 = arith.index_cast %scan3A_43 : i32 to index
      %swap3A_70 = arith.constant 80 : index
      %swap3A_71 = tpu.vector_load %arg13[%swap3A_69, %swap3A_70] {strides = array<i32>} : memref<128x128xf32, #tpu.memory_space<vmem>>, vector<16xf32>,
      tpu.vector_store %arg13[%swap3A_69, %swap3A_70], %broadcast_in_dim3A_68 {strides = array<i32>} : memref<128x128xf32, #tpu.memory_space<vmem>>, vector<16xf32>,
      %broadcast_in_dim3A_72 = arith.constant 0.000000e+00 : f32
      %broadcast_in_dim3A_73 = vector.broadcast %broadcast_in_dim3A_72 : f32 to vector<16xf32>
      %swap3A_74 = arith.index_cast %scan3A_43 : i32 to index
      %swap3A_75 = arith.constant 96 : index
      %swap3A_76 = tpu.vector_load %arg13[%swap3A_74, %swap3A_75] {strides = array<i32>} : memref<128x128xf32, #tpu.memory_space<vmem>>, vector<16xf32>,
      tpu.vector_store %arg13[%swap3A_74, %swap3A_75], %broadcast_in_dim3A_73 {strides = array<i32>} : memref<128x128xf32, #tpu.memory_space<vmem>>, vector<16xf32>,
      %broadcast_in_dim3A_77 = arith.constant 0.000000e+00 : f32
      %broadcast_in_dim3A_78 = vector.broadcast %broadcast_in_dim3A_77 : f32 to vector<16xf32>
      %swap3A_79 = arith.index_cast %scan3A_43 : i32 to index
      %swap3A_80 = arith.constant 112 : index
      %swap3A_81 = tpu.vector_load %arg13[%swap3A_79, %swap3A_80] {strides = array<i32>} : memref<128x128xf32, #tpu.memory_space<vmem>>, vector<16xf32>,
      tpu.vector_store %arg13[%swap3A_79, %swap3A_80], %broadcast_in_dim3A_78 {strides = array<i32>} : memref<128x128xf32, #tpu.memory_space<vmem>>, vector<16xf32>,
    }
    %scan3A_5 = arith.constant 128 : i32
    %mul3A_6 = arith.constant 640 : i32
    %mul3A_7 = arith.muli %arg1, %mul3A_6 : i32
    %add3A_8 = arith.constant 0 : i32
    %add3A_9 = arith.addi %mul3A_7, %add3A_8 : i32
    "tpu.region"() ({
      %run_scoped3A = tpu.sem_alloc : memref<!tpu.dma_semaphore, #tpu.memory_space<semaphore_mem>>
      %dma_start3A = arith.constant 0 : i32
      %dma_start3A_43 = tpu.memref_slice %arg14[%add3A_9, %dma_start3A] : memref<10240x128xf32, #tpu.memory_space<vmem_shared>> -> memref<128x128xf32, #tpu.memory_space<vmem_shared>>
      %dma_start3A_44 = arith.constant 0 : i32
      %dma_start3A_45 = tpu.memref_slice %arg14[%add3A_9, %dma_start3A_44] : memref<10240x128xf32, #tpu.memory_space<vmem_shared>> -> memref<128x128xf32, #tpu.memory_space<vmem_shared>>
      tpu.enqueue_dma source(%arg13 : memref<128x128xf32, #tpu.memory_space<vmem>>) target(%dma_start3A_45 : memref<128x128xf32, #tpu.memory_space<vmem_shared>>) target_semaphore(%run_scoped3A : memref<!tpu.dma_semaphore, #tpu.memory_space<semaphore_mem>>)
      %dma_wait3A = arith.constant 0 : i32
      %dma_wait3A_46 = tpu.memref_slice %arg14[%add3A_9, %dma_wait3A] : memref<10240x128xf32, #tpu.memory_space<vmem_shared>> -> memref<128x128xf32, #tpu.memory_space<vmem_shared>>
      %dma_wait3A_47 = arith.constant 0 : i32
      %dma_wait3A_48 = tpu.memref_slice %arg14[%add3A_9, %dma_wait3A_47] : memref<10240x128xf32, #tpu.memory_space<vmem_shared>> -> memref<128x128xf32, #tpu.memory_space<vmem_shared>>
      tpu.wait_dma2 semaphore(%run_scoped3A : memref<!tpu.dma_semaphore, #tpu.memory_space<semaphore_mem>>) src(%arg13 : memref<128x128xf32, #tpu.memory_space<vmem>>) dst(%dma_wait3A_48 : memref<128x128xf32, #tpu.memory_space<vmem_shared>>)
      tpu.yield
    }) : () -> ()
    %mul3A_10 = arith.constant 640 : i32
    %mul3A_11 = arith.muli %arg1, %mul3A_10 : i32
    %add3A_12 = arith.constant 128 : i32
    %add3A_13 = arith.addi %mul3A_11, %add3A_12 : i32
    "tpu.region"() ({
      %run_scoped3A = tpu.sem_alloc : memref<!tpu.dma_semaphore, #tpu.memory_space<semaphore_mem>>
      %dma_start3A = arith.constant 0 : i32
      %dma_start3A_43 = tpu.memref_slice %arg14[%add3A_13, %dma_start3A] : memref<10240x128xf32, #tpu.memory_space<vmem_shared>> -> memref<128x128xf32, #tpu.memory_space<vmem_shared>>
      %dma_start3A_44 = arith.constant 0 : i32
      %dma_start3A_45 = tpu.memref_slice %arg14[%add3A_13, %dma_start3A_44] : memref<10240x128xf32, #tpu.memory_space<vmem_shared>> -> memref<128x128xf32, #tpu.memory_space<vmem_shared>>
      tpu.enqueue_dma source(%arg13 : memref<128x128xf32, #tpu.memory_space<vmem>>) target(%dma_start3A_45 : memref<128x128xf32, #tpu.memory_space<vmem_shared>>) target_semaphore(%run_scoped3A : memref<!tpu.dma_semaphore, #tpu.memory_space<semaphore_mem>>)
      %dma_wait3A = arith.constant 0 : i32
      %dma_wait3A_46 = tpu.memref_slice %arg14[%add3A_13, %dma_wait3A] : memref<10240x128xf32, #tpu.memory_space<vmem_shared>> -> memref<128x128xf32, #tpu.memory_space<vmem_shared>>
      %dma_wait3A_47 = arith.constant 0 : i32
      %dma_wait3A_48 = tpu.memref_slice %arg14[%add3A_13, %dma_wait3A_47] : memref<10240x128xf32, #tpu.memory_space<vmem_shared>> -> memref<128x128xf32, #tpu.memory_space<vmem_shared>>
      tpu.wait_dma2 semaphore(%run_scoped3A : memref<!tpu.dma_semaphore, #tpu.memory_space<semaphore_mem>>) src(%arg13 : memref<128x128xf32, #tpu.memory_space<vmem>>) dst(%dma_wait3A_48 : memref<128x128xf32, #tpu.memory_space<vmem_shared>>)
      tpu.yield
    }) : () -> ()
    %mul3A_14 = arith.constant 640 : i32
    %mul3A_15 = arith.muli %arg1, %mul3A_14 : i32
    %add3A_16 = arith.constant 256 : i32
    %add3A_17 = arith.addi %mul3A_15, %add3A_16 : i32
    "tpu.region"() ({
      %run_scoped3A = tpu.sem_alloc : memref<!tpu.dma_semaphore, #tpu.memory_space<semaphore_mem>>
      %dma_start3A = arith.constant 0 : i32
      %dma_start3A_43 = tpu.memref_slice %arg14[%add3A_17, %dma_start3A] : memref<10240x128xf32, #tpu.memory_space<vmem_shared>> -> memref<128x128xf32, #tpu.memory_space<vmem_shared>>
      %dma_start3A_44 = arith.constant 0 : i32
      %dma_start3A_45 = tpu.memref_slice %arg14[%add3A_17, %dma_start3A_44] : memref<10240x128xf32, #tpu.memory_space<vmem_shared>> -> memref<128x128xf32, #tpu.memory_space<vmem_shared>>
      tpu.enqueue_dma source(%arg13 : memref<128x128xf32, #tpu.memory_space<vmem>>) target(%dma_start3A_45 : memref<128x128xf32, #tpu.memory_space<vmem_shared>>) target_semaphore(%run_scoped3A : memref<!tpu.dma_semaphore, #tpu.memory_space<semaphore_mem>>)
      %dma_wait3A = arith.constant 0 : i32
      %dma_wait3A_46 = tpu.memref_slice %arg14[%add3A_17, %dma_wait3A] : memref<10240x128xf32, #tpu.memory_space<vmem_shared>> -> memref<128x128xf32, #tpu.memory_space<vmem_shared>>
      %dma_wait3A_47 = arith.constant 0 : i32
      %dma_wait3A_48 = tpu.memref_slice %arg14[%add3A_17, %dma_wait3A_47] : memref<10240x128xf32, #tpu.memory_space<vmem_shared>> -> memref<128x128xf32, #tpu.memory_space<vmem_shared>>
      tpu.wait_dma2 semaphore(%run_scoped3A : memref<!tpu.dma_semaphore, #tpu.memory_space<semaphore_mem>>) src(%arg13 : memref<128x128xf32, #tpu.memory_space<vmem>>) dst(%dma_wait3A_48 : memref<128x128xf32, #tpu.memory_space<vmem_shared>>)
      tpu.yield
    }) : () -> ()
    %mul3A_18 = arith.constant 640 : i32
    %mul3A_19 = arith.muli %arg1, %mul3A_18 : i32
    %add3A_20 = arith.constant 384 : i32
    %add3A_21 = arith.addi %mul3A_19, %add3A_20 : i32
    "tpu.region"() ({
      %run_scoped3A = tpu.sem_alloc : memref<!tpu.dma_semaphore, #tpu.memory_space<semaphore_mem>>
      %dma_start3A = arith.constant 0 : i32
      %dma_start3A_43 = tpu.memref_slice %arg14[%add3A_21, %dma_start3A] : memref<10240x128xf32, #tpu.memory_space<vmem_shared>> -> memref<128x128xf32, #tpu.memory_space<vmem_shared>>
      %dma_start3A_44 = arith.constant 0 : i32
      %dma_start3A_45 = tpu.memref_slice %arg14[%add3A_21, %dma_start3A_44] : memref<10240x128xf32, #tpu.memory_space<vmem_shared>> -> memref<128x128xf32, #tpu.memory_space<vmem_shared>>
      tpu.enqueue_dma source(%arg13 : memref<128x128xf32, #tpu.memory_space<vmem>>) target(%dma_start3A_45 : memref<128x128xf32, #tpu.memory_space<vmem_shared>>) target_semaphore(%run_scoped3A : memref<!tpu.dma_semaphore, #tpu.memory_space<semaphore_mem>>)
      %dma_wait3A = arith.constant 0 : i32
      %dma_wait3A_46 = tpu.memref_slice %arg14[%add3A_21, %dma_wait3A] : memref<10240x128xf32, #tpu.memory_space<vmem_shared>> -> memref<128x128xf32, #tpu.memory_space<vmem_shared>>
      %dma_wait3A_47 = arith.constant 0 : i32
      %dma_wait3A_48 = tpu.memref_slice %arg14[%add3A_21, %dma_wait3A_47] : memref<10240x128xf32, #tpu.memory_space<vmem_shared>> -> memref<128x128xf32, #tpu.memory_space<vmem_shared>>
      tpu.wait_dma2 semaphore(%run_scoped3A : memref<!tpu.dma_semaphore, #tpu.memory_space<semaphore_mem>>) src(%arg13 : memref<128x128xf32, #tpu.memory_space<vmem>>) dst(%dma_wait3A_48 : memref<128x128xf32, #tpu.memory_space<vmem_shared>>)
      tpu.yield
    }) : () -> ()
    %mul3A_22 = arith.constant 640 : i32
    %mul3A_23 = arith.muli %arg1, %mul3A_22 : i32
    %add3A_24 = arith.constant 512 : i32
    %add3A_25 = arith.addi %mul3A_23, %add3A_24 : i32
    "tpu.region"() ({
      %run_scoped3A = tpu.sem_alloc : memref<!tpu.dma_semaphore, #tpu.memory_space<semaphore_mem>>
      %dma_start3A = arith.constant 0 : i32
      %dma_start3A_43 = tpu.memref_slice %arg14[%add3A_25, %dma_start3A] : memref<10240x128xf32, #tpu.memory_space<vmem_shared>> -> memref<128x128xf32, #tpu.memory_space<vmem_shared>>
      %dma_start3A_44 = arith.constant 0 : i32
      %dma_start3A_45 = tpu.memref_slice %arg14[%add3A_25, %dma_start3A_44] : memref<10240x128xf32, #tpu.memory_space<vmem_shared>> -> memref<128x128xf32, #tpu.memory_space<vmem_shared>>
      tpu.enqueue_dma source(%arg13 : memref<128x128xf32, #tpu.memory_space<vmem>>) target(%dma_start3A_45 : memref<128x128xf32, #tpu.memory_space<vmem_shared>>) target_semaphore(%run_scoped3A : memref<!tpu.dma_semaphore, #tpu.memory_space<semaphore_mem>>)
      %dma_wait3A = arith.constant 0 : i32
      %dma_wait3A_46 = tpu.memref_slice %arg14[%add3A_25, %dma_wait3A] : memref<10240x128xf32, #tpu.memory_space<vmem_shared>> -> memref<128x128xf32, #tpu.memory_space<vmem_shared>>
      %dma_wait3A_47 = arith.constant 0 : i32
      %dma_wait3A_48 = tpu.memref_slice %arg14[%add3A_25, %dma_wait3A_47] : memref<10240x128xf32, #tpu.memory_space<vmem_shared>> -> memref<128x128xf32, #tpu.memory_space<vmem_shared>>
      tpu.wait_dma2 semaphore(%run_scoped3A : memref<!tpu.dma_semaphore, #tpu.memory_space<semaphore_mem>>) src(%arg13 : memref<128x128xf32, #tpu.memory_space<vmem>>) dst(%dma_wait3A_48 : memref<128x128xf32, #tpu.memory_space<vmem_shared>>)
      tpu.yield
    }) : () -> ()
    %scan3A_26 = arith.constant 0 : i32
    %scan3A_27 = arith.constant 0 : i32
    %scan3A_28 = arith.constant 640 : i32
    %scan3A_29 = arith.addi %scan3A_27, %scan3A_28 : i32
    %scan3A_30 = arith.constant 1 : i32
    scf.for %scan3A_43 = %scan3A_27 to %scan3A_29 step %scan3A_30  : i32 {
      %broadcast_in_dim3A = arith.constant 0.000000e+00 : f32
      %broadcast_in_dim3A_44 = vector.broadcast %broadcast_in_dim3A : f32 to vector<16xf32>
      %mul3A_45 = arith.constant 16 : i32
      %mul3A_46 = arith.muli %scan3A_43, %mul3A_45 : i32
      %swap3A = arith.index_cast %mul3A_46 : i32 to index
      %swap3A_47 = tpu.vector_load %arg9[%swap3A] {strides = array<i32>} : memref<10240xf32, #tpu.memory_space<vmem>>, vector<16xf32>,
      tpu.vector_store %arg9[%swap3A], %broadcast_in_dim3A_44 {strides = array<i32>} : memref<10240xf32, #tpu.memory_space<vmem>>, vector<16xf32>,
    }
    %scan3A_31 = arith.constant 640 : i32
    "tpu.region"() ({
      %run_scoped3A = tpu.sem_alloc : memref<!tpu.dma_semaphore, #tpu.memory_space<semaphore_mem>>
      tpu.enqueue_dma source(%arg3 : memref<20000xf32, #tpu.memory_space<hbm>>) target(%arg8 : memref<20000xf32, #tpu.memory_space<vmem>>) target_semaphore(%run_scoped3A : memref<!tpu.dma_semaphore, #tpu.memory_space<semaphore_mem>>)
      tpu.wait_dma2 semaphore(%run_scoped3A : memref<!tpu.dma_semaphore, #tpu.memory_space<semaphore_mem>>) src(%arg3 : memref<20000xf32, #tpu.memory_space<hbm>>) dst(%arg8 : memref<20000xf32, #tpu.memory_space<vmem>>)
      tpu.yield
    }) : () -> ()
    %barrier3A = arith.constant 0 : index
    tpu.barrier barrier_id(%barrier3A)
    %scan3A_32 = arith.constant 0 : i32
    %scan3A_33 = arith.constant 0 : i32
    %scan3A_34 = arith.constant 81 : i32
    %scan3A_35 = arith.addi %scan3A_33, %scan3A_34 : i32
    %scan3A_36 = arith.constant 1 : i32
    scf.for %scan3A_43 = %scan3A_33 to %scan3A_35 step %scan3A_36  : i32 {
      %mul3A_44 = arith.constant 10368 : i32
      %mul3A_45 = arith.muli %add3A, %mul3A_44 : i32
      %mul3A_46 = arith.constant 128 : i32
      %mul3A_47 = arith.muli %scan3A_43, %mul3A_46 : i32
      %add3A_48 = arith.addi %mul3A_45, %mul3A_47 : i32
      "tpu.region"() ({
        %run_scoped3A = tpu.sem_alloc : memref<!tpu.dma_semaphore, #tpu.memory_space<semaphore_mem>>
        %dma_start3A_65 = tpu.memref_slice %arg4[%add3A_48] : memref<331776xi32, #tpu.memory_space<hbm>> -> memref<128xi32, #tpu.memory_space<hbm>>
        %dma_start3A_66 = tpu.memref_slice %arg4[%add3A_48] : memref<331776xi32, #tpu.memory_space<hbm>> -> memref<128xi32, #tpu.memory_space<hbm>>
        tpu.enqueue_dma source(%dma_start3A_66 : memref<128xi32, #tpu.memory_space<hbm>>) target(%arg10 : memref<128xi32, #tpu.memory_space<vmem>>) target_semaphore(%run_scoped3A : memref<!tpu.dma_semaphore, #tpu.memory_space<semaphore_mem>>)
        %dma_wait3A_67 = tpu.memref_slice %arg4[%add3A_48] : memref<331776xi32, #tpu.memory_space<hbm>> -> memref<128xi32, #tpu.memory_space<hbm>>
        %dma_wait3A_68 = tpu.memref_slice %arg4[%add3A_48] : memref<331776xi32, #tpu.memory_space<hbm>> -> memref<128xi32, #tpu.memory_space<hbm>>
        tpu.wait_dma2 semaphore(%run_scoped3A : memref<!tpu.dma_semaphore, #tpu.memory_space<semaphore_mem>>) src(%dma_wait3A_68 : memref<128xi32, #tpu.memory_space<hbm>>) dst(%arg10 : memref<128xi32, #tpu.memory_space<vmem>>)
        tpu.yield
      }) : () -> ()
      "tpu.region"() ({
        %run_scoped3A = tpu.sem_alloc : memref<!tpu.dma_semaphore, #tpu.memory_space<semaphore_mem>>
        %dma_start3A_65 = tpu.memref_slice %arg5[%add3A_48] : memref<331776xi32, #tpu.memory_space<hbm>> -> memref<128xi32, #tpu.memory_space<hbm>>
        %dma_start3A_66 = tpu.memref_slice %arg5[%add3A_48] : memref<331776xi32, #tpu.memory_space<hbm>> -> memref<128xi32, #tpu.memory_space<hbm>>
        tpu.enqueue_dma source(%dma_start3A_66 : memref<128xi32, #tpu.memory_space<hbm>>) target(%arg11 : memref<128xi32, #tpu.memory_space<vmem>>) target_semaphore(%run_scoped3A : memref<!tpu.dma_semaphore, #tpu.memory_space<semaphore_mem>>)
        %dma_wait3A_67 = tpu.memref_slice %arg5[%add3A_48] : memref<331776xi32, #tpu.memory_space<hbm>> -> memref<128xi32, #tpu.memory_space<hbm>>
        %dma_wait3A_68 = tpu.memref_slice %arg5[%add3A_48] : memref<331776xi32, #tpu.memory_space<hbm>> -> memref<128xi32, #tpu.memory_space<hbm>>
        tpu.wait_dma2 semaphore(%run_scoped3A : memref<!tpu.dma_semaphore, #tpu.memory_space<semaphore_mem>>) src(%dma_wait3A_68 : memref<128xi32, #tpu.memory_space<hbm>>) dst(%arg11 : memref<128xi32, #tpu.memory_space<vmem>>)
        tpu.yield
      }) : () -> ()
      %dma_start3A = arith.constant 0 : i32
      %dma_start3A_49 = arith.constant 0 : i32
      %dma_start3A_50 = tpu.memref_slice %arg2[%dma_start3A, %dma_start3A_49] : memref<10000x128xf32, #tpu.memory_space<hbm>> -> memref<10000x128xf32, #tpu.memory_space<hbm>>
      tpu.enqueue_indirect_dma source(%dma_start3A_50 : memref<10000x128xf32, #tpu.memory_space<hbm>>) target(%arg13 : memref<128x128xf32, #tpu.memory_space<vmem>>) offsets(%arg10 : memref<128xi32, #tpu.memory_space<vmem>>) semaphore(%arg15 : memref<!tpu.dma_semaphore, #tpu.memory_space<semaphore_mem>>)
      %dma_wait3A = arith.constant 0 : i32
      %dma_wait3A_51 = arith.constant 0 : i32
      %dma_wait3A_52 = tpu.memref_slice %arg2[%dma_wait3A, %dma_wait3A_51] : memref<10000x128xf32, #tpu.memory_space<hbm>> -> memref<10000x128xf32, #tpu.memory_space<hbm>>
      tpu.wait_indirect_dma semaphore(%arg15 : memref<!tpu.dma_semaphore, #tpu.memory_space<semaphore_mem>>) src(%dma_wait3A_52 : memref<10000x128xf32, #tpu.memory_space<hbm>>) dst(%arg13 : memref<128x128xf32, #tpu.memory_space<vmem>>)
      %scan3A_53 = arith.constant 0 : i32
      %scan3A_54 = arith.constant 0 : i32
      %scan3A_55 = arith.constant 8 : i32
      %scan3A_56 = arith.addi %scan3A_54, %scan3A_55 : i32
      %scan3A_57 = arith.constant 1 : i32
      scf.for %scan3A_65 = %scan3A_54 to %scan3A_56 step %scan3A_57  : i32 {
        %mul3A_66 = arith.constant 16 : i32
        %mul3A_67 = arith.muli %scan3A_65, %mul3A_66 : i32
        %get3A = arith.index_cast %mul3A_67 : i32 to index
        %get3A_68 = tpu.vector_load %arg10[%get3A] {strides = array<i32>} : memref<128xi32, #tpu.memory_space<vmem>>, vector<16xi32>,
        %mul3A_69 = arith.constant 16 : i32
        %mul3A_70 = arith.muli %scan3A_65, %mul3A_69 : i32
        %get3A_71 = arith.index_cast %mul3A_70 : i32 to index
        %get3A_72 = tpu.vector_load %arg11[%get3A_71] {strides = array<i32>} : memref<128xi32, #tpu.memory_space<vmem>>, vector<16xi32>,
        %mul3A_73 = arith.constant 2 : i32
        %mul3A_74 = vector.broadcast %mul3A_73 : i32 to vector<16xi32>
        %mul3A_75 = arith.muli %get3A_68, %mul3A_74 : vector<16xi32>
        %gather3A = tpu.vector_load_idx %arg8[%mul3A_75] : memref<20000xf32, #tpu.memory_space<vmem>>[vector<16xi32>], vector<16xf32>,
        %mul3A_76 = arith.constant 2 : i32
        %mul3A_77 = vector.broadcast %mul3A_76 : i32 to vector<16xi32>
        %mul3A_78 = arith.muli %get3A_72, %mul3A_77 : vector<16xi32>
        %add3A_79 = arith.constant 1 : i32
        %add3A_80 = vector.broadcast %add3A_79 : i32 to vector<16xi32>
        %add3A_81 = arith.addi %mul3A_78, %add3A_80 : vector<16xi32>
        %gather3A_82 = tpu.vector_load_idx %arg8[%add3A_81] : memref<20000xf32, #tpu.memory_space<vmem>>[vector<16xi32>], vector<16xf32>,
        %add3A_83 = arith.addf %gather3A, %gather3A_82 : vector<16xf32>
        %gt3A = arith.constant 0.000000e+00 : f32
        %gt3A_84 = vector.broadcast %gt3A : f32 to vector<16xf32>
        %gt3A_85 = arith.cmpf ogt, %add3A_83, %gt3A_84 : vector<16xf32>
        %mul3A_86 = arith.constant 2.000000e-01 : f32
        %mul3A_87 = vector.broadcast %mul3A_86 : f32 to vector<16xf32>
        %mul3A_88 = arith.mulf %mul3A_87, %add3A_83 : vector<16xf32>
        %select_n3A = arith.select %gt3A_85, %add3A_83, %mul3A_88 : vector<16xi1>, vector<16xf32>
        %exp3A = math.exp %select_n3A : vector<16xf32>
        %mul3A_89 = arith.constant 16 : i32
        %mul3A_90 = arith.muli %scan3A_65, %mul3A_89 : i32
        %add3A_91 = arith.addi %add3A_48, %mul3A_90 : i32
        %iota3A = tpu.iota {dimensions = array<i32: 0>} : vector<16xi32>
        %add3A_92 = vector.broadcast %add3A_91 : i32 to vector<16xi32>
        %add3A_93 = arith.addi %add3A_92, %iota3A : vector<16xi32>
        %lt3A = arith.constant 330000 : i32
        %lt3A_94 = vector.broadcast %lt3A : i32 to vector<16xi32>
        %lt3A_95 = arith.cmpi slt, %add3A_93, %lt3A_94 : vector<16xi32>
        %jit3A = arith.constant 0.000000e+00 : f32
        %broadcast_in_dim3A = vector.broadcast %jit3A : f32 to vector<16xf32>
        %select_n3A_96 = arith.select %lt3A_95, %exp3A, %broadcast_in_dim3A : vector<16xi1>, vector<16xf32>
        %mul3A_97 = arith.constant 16 : i32
        %mul3A_98 = arith.muli %scan3A_65, %mul3A_97 : i32
        %swap3A = arith.index_cast %mul3A_98 : i32 to index
        %swap3A_99 = tpu.vector_load %arg12[%swap3A] {strides = array<i32>} : memref<128xf32, #tpu.memory_space<vmem>>, vector<16xf32>,
        tpu.vector_store %arg12[%swap3A], %select_n3A_96 {strides = array<i32>} : memref<128xf32, #tpu.memory_space<vmem>>, vector<16xf32>,
        tpu.vector_store_idx %arg9[%get3A_72], %select_n3A_96 {add = true} : memref<10240xf32, #tpu.memory_space<vmem>>[vector<16xi32>], vector<16xf32>,
      }
      %scan3A_58 = arith.constant 8 : i32
      %scan3A_59 = arith.constant 0 : i32
      %scan3A_60 = arith.constant 0 : i32
      %scan3A_61 = arith.constant 128 : i32
      %scan3A_62 = arith.addi %scan3A_60, %scan3A_61 : i32
      %scan3A_63 = arith.constant 1 : i32
      scf.for %scan3A_65 = %scan3A_60 to %scan3A_62 step %scan3A_63  : i32 {
        %broadcast_in_dim3A = vector.broadcast %scan3A_65 : i32 to vector<16xi32>
        %gather3A = tpu.vector_load_idx %arg12[%broadcast_in_dim3A] : memref<128xf32, #tpu.memory_space<vmem>>[vector<16xi32>], vector<16xf32>,
        %get3A = arith.index_cast %scan3A_65 : i32 to index
        %get3A_66 = arith.constant 0 : index
        %get3A_67 = tpu.vector_load %arg13[%get3A, %get3A_66] {strides = array<i32>} : memref<128x128xf32, #tpu.memory_space<vmem>>, vector<16xf32>,
        %mul3A_68 = arith.mulf %get3A_67, %gather3A : vector<16xf32>
        %swap3A = arith.index_cast %scan3A_65 : i32 to index
        %swap3A_69 = arith.constant 0 : index
        %swap3A_70 = tpu.vector_load %arg13[%swap3A, %swap3A_69] {strides = array<i32>} : memref<128x128xf32, #tpu.memory_space<vmem>>, vector<16xf32>,
        tpu.vector_store %arg13[%swap3A, %swap3A_69], %mul3A_68 {strides = array<i32>} : memref<128x128xf32, #tpu.memory_space<vmem>>, vector<16xf32>,
        %get3A_71 = arith.index_cast %scan3A_65 : i32 to index
        %get3A_72 = arith.constant 16 : index
        %get3A_73 = tpu.vector_load %arg13[%get3A_71, %get3A_72] {strides = array<i32>} : memref<128x128xf32, #tpu.memory_space<vmem>>, vector<16xf32>,
        %mul3A_74 = arith.mulf %get3A_73, %gather3A : vector<16xf32>
        %swap3A_75 = arith.index_cast %scan3A_65 : i32 to index
        %swap3A_76 = arith.constant 16 : index
        %swap3A_77 = tpu.vector_load %arg13[%swap3A_75, %swap3A_76] {strides = array<i32>} : memref<128x128xf32, #tpu.memory_space<vmem>>, vector<16xf32>,
        tpu.vector_store %arg13[%swap3A_75, %swap3A_76], %mul3A_74 {strides = array<i32>} : memref<128x128xf32, #tpu.memory_space<vmem>>, vector<16xf32>,
        %get3A_78 = arith.index_cast %scan3A_65 : i32 to index
        %get3A_79 = arith.constant 32 : index
        %get3A_80 = tpu.vector_load %arg13[%get3A_78, %get3A_79] {strides = array<i32>} : memref<128x128xf32, #tpu.memory_space<vmem>>, vector<16xf32>,
        %mul3A_81 = arith.mulf %get3A_80, %gather3A : vector<16xf32>
        %swap3A_82 = arith.index_cast %scan3A_65 : i32 to index
        %swap3A_83 = arith.constant 32 : index
        %swap3A_84 = tpu.vector_load %arg13[%swap3A_82, %swap3A_83] {strides = array<i32>} : memref<128x128xf32, #tpu.memory_space<vmem>>, vector<16xf32>,
        tpu.vector_store %arg13[%swap3A_82, %swap3A_83], %mul3A_81 {strides = array<i32>} : memref<128x128xf32, #tpu.memory_space<vmem>>, vector<16xf32>,
        %get3A_85 = arith.index_cast %scan3A_65 : i32 to index
        %get3A_86 = arith.constant 48 : index
        %get3A_87 = tpu.vector_load %arg13[%get3A_85, %get3A_86] {strides = array<i32>} : memref<128x128xf32, #tpu.memory_space<vmem>>, vector<16xf32>,
        %mul3A_88 = arith.mulf %get3A_87, %gather3A : vector<16xf32>
        %swap3A_89 = arith.index_cast %scan3A_65 : i32 to index
        %swap3A_90 = arith.constant 48 : index
        %swap3A_91 = tpu.vector_load %arg13[%swap3A_89, %swap3A_90] {strides = array<i32>} : memref<128x128xf32, #tpu.memory_space<vmem>>, vector<16xf32>,
        tpu.vector_store %arg13[%swap3A_89, %swap3A_90], %mul3A_88 {strides = array<i32>} : memref<128x128xf32, #tpu.memory_space<vmem>>, vector<16xf32>,
        %get3A_92 = arith.index_cast %scan3A_65 : i32 to index
        %get3A_93 = arith.constant 64 : index
        %get3A_94 = tpu.vector_load %arg13[%get3A_92, %get3A_93] {strides = array<i32>} : memref<128x128xf32, #tpu.memory_space<vmem>>, vector<16xf32>,
        %mul3A_95 = arith.mulf %get3A_94, %gather3A : vector<16xf32>
        %swap3A_96 = arith.index_cast %scan3A_65 : i32 to index
        %swap3A_97 = arith.constant 64 : index
        %swap3A_98 = tpu.vector_load %arg13[%swap3A_96, %swap3A_97] {strides = array<i32>} : memref<128x128xf32, #tpu.memory_space<vmem>>, vector<16xf32>,
        tpu.vector_store %arg13[%swap3A_96, %swap3A_97], %mul3A_95 {strides = array<i32>} : memref<128x128xf32, #tpu.memory_space<vmem>>, vector<16xf32>,
        %get3A_99 = arith.index_cast %scan3A_65 : i32 to index
        %get3A_100 = arith.constant 80 : index
        %get3A_101 = tpu.vector_load %arg13[%get3A_99, %get3A_100] {strides = array<i32>} : memref<128x128xf32, #tpu.memory_space<vmem>>, vector<16xf32>,
        %mul3A_102 = arith.mulf %get3A_101, %gather3A : vector<16xf32>
        %swap3A_103 = arith.index_cast %scan3A_65 : i32 to index
        %swap3A_104 = arith.constant 80 : index
        %swap3A_105 = tpu.vector_load %arg13[%swap3A_103, %swap3A_104] {strides = array<i32>} : memref<128x128xf32, #tpu.memory_space<vmem>>, vector<16xf32>,
        tpu.vector_store %arg13[%swap3A_103, %swap3A_104], %mul3A_102 {strides = array<i32>} : memref<128x128xf32, #tpu.memory_space<vmem>>, vector<16xf32>,
        %get3A_106 = arith.index_cast %scan3A_65 : i32 to index
        %get3A_107 = arith.constant 96 : index
        %get3A_108 = tpu.vector_load %arg13[%get3A_106, %get3A_107] {strides = array<i32>} : memref<128x128xf32, #tpu.memory_space<vmem>>, vector<16xf32>,
        %mul3A_109 = arith.mulf %get3A_108, %gather3A : vector<16xf32>
        %swap3A_110 = arith.index_cast %scan3A_65 : i32 to index
        %swap3A_111 = arith.constant 96 : index
        %swap3A_112 = tpu.vector_load %arg13[%swap3A_110, %swap3A_111] {strides = array<i32>} : memref<128x128xf32, #tpu.memory_space<vmem>>, vector<16xf32>,
        tpu.vector_store %arg13[%swap3A_110, %swap3A_111], %mul3A_109 {strides = array<i32>} : memref<128x128xf32, #tpu.memory_space<vmem>>, vector<16xf32>,
        %get3A_113 = arith.index_cast %scan3A_65 : i32 to index
        %get3A_114 = arith.constant 112 : index
        %get3A_115 = tpu.vector_load %arg13[%get3A_113, %get3A_114] {strides = array<i32>} : memref<128x128xf32, #tpu.memory_space<vmem>>, vector<16xf32>,
        %mul3A_116 = arith.mulf %get3A_115, %gather3A : vector<16xf32>
        %swap3A_117 = arith.index_cast %scan3A_65 : i32 to index
        %swap3A_118 = arith.constant 112 : index
        %swap3A_119 = tpu.vector_load %arg13[%swap3A_117, %swap3A_118] {strides = array<i32>} : memref<128x128xf32, #tpu.memory_space<vmem>>, vector<16xf32>,
        tpu.vector_store %arg13[%swap3A_117, %swap3A_118], %mul3A_116 {strides = array<i32>} : memref<128x128xf32, #tpu.memory_space<vmem>>, vector<16xf32>,
      }
      %scan3A_64 = arith.constant 128 : i32
      "tpu.region"() ({
        %run_scoped3A = tpu.sem_alloc : memref<!tpu.dma_semaphore, #tpu.memory_space<semaphore_mem>>
        %dma_start3A_65 = arith.constant 0 : i32
        %dma_start3A_66 = arith.constant 0 : i32
        %dma_start3A_67 = tpu.memref_slice %arg14[%dma_start3A_65, %dma_start3A_66] : memref<10240x128xf32, #tpu.memory_space<vmem_shared>> -> memref<10240x128xf32, #tpu.memory_space<vmem_shared>>
        tpu.enqueue_indirect_dma source(%arg13 : memref<128x128xf32, #tpu.memory_space<vmem>>) target(%dma_start3A_67 : memref<10240x128xf32, #tpu.memory_space<vmem_shared>>) offsets(%arg11 : memref<128xi32, #tpu.memory_space<vmem>>) semaphore(%run_scoped3A : memref<!tpu.dma_semaphore, #tpu.memory_space<semaphore_mem>>) {add = true}
        %dma_wait3A_68 = arith.constant 0 : i32
        %dma_wait3A_69 = arith.constant 0 : i32
        %dma_wait3A_70 = tpu.memref_slice %arg14[%dma_wait3A_68, %dma_wait3A_69] : memref<10240x128xf32, #tpu.memory_space<vmem_shared>> -> memref<10240x128xf32, #tpu.memory_space<vmem_shared>>
        tpu.wait_indirect_dma semaphore(%run_scoped3A : memref<!tpu.dma_semaphore, #tpu.memory_space<semaphore_mem>>) src(%arg13 : memref<128x128xf32, #tpu.memory_space<vmem>>) dst(%dma_wait3A_70 : memref<10240x128xf32, #tpu.memory_space<vmem_shared>>)
        tpu.yield
      }) : () -> ()
    }
    %scan3A_37 = arith.constant 81 : i32
    %barrier3A_38 = arith.constant 0 : index
    tpu.barrier barrier_id(%barrier3A_38)
    %mul3A_39 = arith.constant 640 : i32
    %mul3A_40 = arith.muli %arg1, %mul3A_39 : i32
    %mul3A_41 = arith.constant 640 : i32
    %mul3A_42 = arith.muli %arg1, %mul3A_41 : i32
    "tpu.region"() ({
      %run_scoped3A = tpu.sem_alloc : memref<!tpu.dma_semaphore, #tpu.memory_space<semaphore_mem>>
      %dma_start3A = arith.constant 0 : i32
      %dma_start3A_43 = tpu.memref_slice %arg6[%arg0, %mul3A_42, %dma_start3A] : memref<2x10240x128xf32, #tpu.memory_space<hbm>> -> memref<1x640x128xf32, #tpu.memory_space<hbm>>
      %dma_start3A_44 = tpu.memref_squeeze %dma_start3A_43 : memref<1x640x128xf32, #tpu.memory_space<hbm>> -> memref<640x128xf32, #tpu.memory_space<hbm>>
      %dma_start3A_45 = arith.constant 0 : i32
      %dma_start3A_46 = tpu.memref_slice %arg14[%mul3A_40, %dma_start3A_45] : memref<10240x128xf32, #tpu.memory_space<vmem_shared>> -> memref<640x128xf32, #tpu.memory_space<vmem_shared>>
      tpu.enqueue_dma source(%dma_start3A_46 : memref<640x128xf32, #tpu.memory_space<vmem_shared>>) target(%dma_start3A_44 : memref<640x128xf32, #tpu.memory_space<hbm>>) target_semaphore(%run_scoped3A : memref<!tpu.dma_semaphore, #tpu.memory_space<semaphore_mem>>)
      %dma_wait3A = arith.constant 0 : i32
      %dma_wait3A_47 = tpu.memref_slice %arg6[%arg0, %mul3A_42, %dma_wait3A] : memref<2x10240x128xf32, #tpu.memory_space<hbm>> -> memref<1x640x128xf32, #tpu.memory_space<hbm>>
      %dma_wait3A_48 = tpu.memref_squeeze %dma_wait3A_47 : memref<1x640x128xf32, #tpu.memory_space<hbm>> -> memref<640x128xf32, #tpu.memory_space<hbm>>
      %dma_wait3A_49 = arith.constant 0 : i32
      %dma_wait3A_50 = tpu.memref_slice %arg14[%mul3A_40, %dma_wait3A_49] : memref<10240x128xf32, #tpu.memory_space<vmem_shared>> -> memref<640x128xf32, #tpu.memory_space<vmem_shared>>
      tpu.wait_dma2 semaphore(%run_scoped3A : memref<!tpu.dma_semaphore, #tpu.memory_space<semaphore_mem>>) src(%dma_wait3A_50 : memref<640x128xf32, #tpu.memory_space<vmem_shared>>) dst(%dma_wait3A_48 : memref<640x128xf32, #tpu.memory_space<hbm>>)
      tpu.yield
    }) : () -> ()
    "tpu.region"() ({
      %run_scoped3A = tpu.sem_alloc : memref<!tpu.dma_semaphore, #tpu.memory_space<semaphore_mem>>
      %dma_start3A = arith.constant 0 : i32
      %dma_start3A_43 = tpu.memref_slice %arg7[%arg0, %arg1, %dma_start3A] : memref<2x16x10240xf32, #tpu.memory_space<hbm>> -> memref<1x1x10240xf32, #tpu.memory_space<hbm>>
      %dma_start3A_44 = tpu.memref_squeeze %dma_start3A_43 : memref<1x1x10240xf32, #tpu.memory_space<hbm>> -> memref<10240xf32, #tpu.memory_space<hbm>>
      %dma_start3A_45 = arith.constant 0 : i32
      %dma_start3A_46 = tpu.memref_slice %arg7[%arg0, %arg1, %dma_start3A_45] : memref<2x16x10240xf32, #tpu.memory_space<hbm>> -> memref<1x1x10240xf32, #tpu.memory_space<hbm>>
      %dma_start3A_47 = tpu.memref_squeeze %dma_start3A_46 : memref<1x1x10240xf32, #tpu.memory_space<hbm>> -> memref<10240xf32, #tpu.memory_space<hbm>>
      tpu.enqueue_dma source(%arg9 : memref<10240xf32, #tpu.memory_space<vmem>>) target(%dma_start3A_47 : memref<10240xf32, #tpu.memory_space<hbm>>) target_semaphore(%run_scoped3A : memref<!tpu.dma_semaphore, #tpu.memory_space<semaphore_mem>>)
      %dma_wait3A = arith.constant 0 : i32
      %dma_wait3A_48 = tpu.memref_slice %arg7[%arg0, %arg1, %dma_wait3A] : memref<2x16x10240xf32, #tpu.memory_space<hbm>> -> memref<1x1x10240xf32, #tpu.memory_space<hbm>>
      %dma_wait3A_49 = tpu.memref_squeeze %dma_wait3A_48 : memref<1x1x10240xf32, #tpu.memory_space<hbm>> -> memref<10240xf32, #tpu.memory_space<hbm>>
      %dma_wait3A_50 = arith.constant 0 : i32
      %dma_wait3A_51 = tpu.memref_slice %arg7[%arg0, %arg1, %dma_wait3A_50] : memref<2x16x10240xf32, #tpu.memory_space<hbm>> -> memref<1x1x10240xf32, #tpu.memory_space<hbm>>
      %dma_wait3A_52 = tpu.memref_squeeze %dma_wait3A_51 : memref<1x1x10240xf32, #tpu.memory_space<hbm>> -> memref<10240xf32, #tpu.memory_space<hbm>>
      tpu.wait_dma2 semaphore(%run_scoped3A : memref<!tpu.dma_semaphore, #tpu.memory_space<semaphore_mem>>) src(%arg9 : memref<10240xf32, #tpu.memory_space<vmem>>) dst(%dma_wait3A_52 : memref<10240xf32, #tpu.memory_space<hbm>>)
      tpu.yield
    }) : () -> ()
    return
  }
}

#map = affine_map<(d0, d1) -> (0, 0)>
#map1 = affine_map<(d0, d1) -> (0)>
module attributes {stable_mosaic.version = 14 : i64} {
  func.func @k(%arg0: i32, %arg1: i32, %arg2: memref<10000x128xf32, #tpu.memory_space<hbm>>, %arg3: memref<323584xi32, #tpu.memory_space<hbm>>, %arg4: memref<323584xi32, #tpu.memory_space<hbm>>, %arg5: memref<323584xf32, #tpu.memory_space<hbm>>, %arg6: memref<128xi32, #tpu.memory_space<vmem>>, %arg7: memref<128xi32, #tpu.memory_space<vmem>>, %arg8: memref<128x128xf32, #tpu.memory_space<vmem>>, %arg9: memref<128x128xf32, #tpu.memory_space<vmem>>, %arg10: memref<128xf32, #tpu.memory_space<vmem>>, %arg11: memref<!tpu.dma_semaphore, #tpu.memory_space<semaphore_mem>>) attributes {dimension_semantics = [#tpu.dimension_semantics<core_parallel>, #tpu.dimension_semantics<subcore_parallel>], iteration_bounds = array<i64: 2, 16>, scalar_prefetch = 0 : i64, scratch_operands = 6 : i64, tpu.core_type = #tpu.core_type<sc_vector_subcore>, window_params = [{transform_indices = #map}, {transform_indices = #map1}, {transform_indices = #map1}, {transform_indices = #map1}]} {
    %mul3A = arith.constant 16 : i32
    %mul3A_0 = arith.muli %arg0, %mul3A : i32
    %add3A = arith.addi %mul3A_0, %arg1 : i32
    %scan3A = arith.constant 0 : i32
    %scan3A_1 = arith.constant 0 : i32
    %scan3A_2 = arith.constant 79 : i32
    %scan3A_3 = arith.addi %scan3A_1, %scan3A_2 : i32
    %scan3A_4 = arith.constant 1 : i32
    scf.for %scan3A_6 = %scan3A_1 to %scan3A_3 step %scan3A_4  : i32 {
      %mul3A_7 = arith.constant 79 : i32
      %mul3A_8 = arith.muli %add3A, %mul3A_7 : i32
      %add3A_9 = arith.addi %mul3A_8, %scan3A_6 : i32
      %mul3A_10 = arith.constant 128 : i32
      %mul3A_11 = arith.muli %add3A_9, %mul3A_10 : i32
      "tpu.region"() ({
        %run_scoped3A = tpu.sem_alloc : memref<!tpu.dma_semaphore, #tpu.memory_space<semaphore_mem>>
        %dma_start3A_137 = tpu.memref_slice %arg3[%mul3A_11] : memref<323584xi32, #tpu.memory_space<hbm>> -> memref<128xi32, #tpu.memory_space<hbm>>
        %dma_start3A_138 = tpu.memref_slice %arg3[%mul3A_11] : memref<323584xi32, #tpu.memory_space<hbm>> -> memref<128xi32, #tpu.memory_space<hbm>>
        tpu.enqueue_dma source(%dma_start3A_138 : memref<128xi32, #tpu.memory_space<hbm>>) target(%arg6 : memref<128xi32, #tpu.memory_space<vmem>>) target_semaphore(%run_scoped3A : memref<!tpu.dma_semaphore, #tpu.memory_space<semaphore_mem>>)
        %dma_wait3A_139 = tpu.memref_slice %arg3[%mul3A_11] : memref<323584xi32, #tpu.memory_space<hbm>> -> memref<128xi32, #tpu.memory_space<hbm>>
        %dma_wait3A_140 = tpu.memref_slice %arg3[%mul3A_11] : memref<323584xi32, #tpu.memory_space<hbm>> -> memref<128xi32, #tpu.memory_space<hbm>>
        tpu.wait_dma2 semaphore(%run_scoped3A : memref<!tpu.dma_semaphore, #tpu.memory_space<semaphore_mem>>) src(%dma_wait3A_140 : memref<128xi32, #tpu.memory_space<hbm>>) dst(%arg6 : memref<128xi32, #tpu.memory_space<vmem>>)
        tpu.yield
      }) : () -> ()
      "tpu.region"() ({
        %run_scoped3A = tpu.sem_alloc : memref<!tpu.dma_semaphore, #tpu.memory_space<semaphore_mem>>
        %dma_start3A_137 = tpu.memref_slice %arg4[%mul3A_11] : memref<323584xi32, #tpu.memory_space<hbm>> -> memref<128xi32, #tpu.memory_space<hbm>>
        %dma_start3A_138 = tpu.memref_slice %arg4[%mul3A_11] : memref<323584xi32, #tpu.memory_space<hbm>> -> memref<128xi32, #tpu.memory_space<hbm>>
        tpu.enqueue_dma source(%dma_start3A_138 : memref<128xi32, #tpu.memory_space<hbm>>) target(%arg7 : memref<128xi32, #tpu.memory_space<vmem>>) target_semaphore(%run_scoped3A : memref<!tpu.dma_semaphore, #tpu.memory_space<semaphore_mem>>)
        %dma_wait3A_139 = tpu.memref_slice %arg4[%mul3A_11] : memref<323584xi32, #tpu.memory_space<hbm>> -> memref<128xi32, #tpu.memory_space<hbm>>
        %dma_wait3A_140 = tpu.memref_slice %arg4[%mul3A_11] : memref<323584xi32, #tpu.memory_space<hbm>> -> memref<128xi32, #tpu.memory_space<hbm>>
        tpu.wait_dma2 semaphore(%run_scoped3A : memref<!tpu.dma_semaphore, #tpu.memory_space<semaphore_mem>>) src(%dma_wait3A_140 : memref<128xi32, #tpu.memory_space<hbm>>) dst(%arg7 : memref<128xi32, #tpu.memory_space<vmem>>)
        tpu.yield
      }) : () -> ()
      %dma_start3A = arith.constant 0 : i32
      %dma_start3A_12 = arith.constant 0 : i32
      %dma_start3A_13 = tpu.memref_slice %arg2[%dma_start3A, %dma_start3A_12] : memref<10000x128xf32, #tpu.memory_space<hbm>> -> memref<10000x128xf32, #tpu.memory_space<hbm>>
      tpu.enqueue_indirect_dma source(%dma_start3A_13 : memref<10000x128xf32, #tpu.memory_space<hbm>>) target(%arg8 : memref<128x128xf32, #tpu.memory_space<vmem>>) offsets(%arg6 : memref<128xi32, #tpu.memory_space<vmem>>) semaphore(%arg11 : memref<!tpu.dma_semaphore, #tpu.memory_space<semaphore_mem>>)
      %dma_wait3A = arith.constant 0 : i32
      %dma_wait3A_14 = arith.constant 0 : i32
      %dma_wait3A_15 = tpu.memref_slice %arg2[%dma_wait3A, %dma_wait3A_14] : memref<10000x128xf32, #tpu.memory_space<hbm>> -> memref<10000x128xf32, #tpu.memory_space<hbm>>
      tpu.wait_indirect_dma semaphore(%arg11 : memref<!tpu.dma_semaphore, #tpu.memory_space<semaphore_mem>>) src(%dma_wait3A_15 : memref<10000x128xf32, #tpu.memory_space<hbm>>) dst(%arg8 : memref<128x128xf32, #tpu.memory_space<vmem>>)
      %dma_start3A_16 = arith.constant 0 : i32
      %dma_start3A_17 = arith.constant 0 : i32
      %dma_start3A_18 = tpu.memref_slice %arg2[%dma_start3A_16, %dma_start3A_17] : memref<10000x128xf32, #tpu.memory_space<hbm>> -> memref<10000x128xf32, #tpu.memory_space<hbm>>
      tpu.enqueue_indirect_dma source(%dma_start3A_18 : memref<10000x128xf32, #tpu.memory_space<hbm>>) target(%arg9 : memref<128x128xf32, #tpu.memory_space<vmem>>) offsets(%arg7 : memref<128xi32, #tpu.memory_space<vmem>>) semaphore(%arg11 : memref<!tpu.dma_semaphore, #tpu.memory_space<semaphore_mem>>)
      %dma_wait3A_19 = arith.constant 0 : i32
      %dma_wait3A_20 = arith.constant 0 : i32
      %dma_wait3A_21 = tpu.memref_slice %arg2[%dma_wait3A_19, %dma_wait3A_20] : memref<10000x128xf32, #tpu.memory_space<hbm>> -> memref<10000x128xf32, #tpu.memory_space<hbm>>
      tpu.wait_indirect_dma semaphore(%arg11 : memref<!tpu.dma_semaphore, #tpu.memory_space<semaphore_mem>>) src(%dma_wait3A_21 : memref<10000x128xf32, #tpu.memory_space<hbm>>) dst(%arg9 : memref<128x128xf32, #tpu.memory_space<vmem>>)
      %iota3A = tpu.iota {dimensions = array<i32: 0>} : vector<16xi32>
      %eq3A = arith.constant 0 : i32
      %eq3A_22 = vector.broadcast %eq3A : i32 to vector<16xi32>
      %eq3A_23 = arith.cmpi eq, %iota3A, %eq3A_22 : vector<16xi32>
      %scan3A_24 = arith.constant 0 : i32
      %scan3A_25 = arith.constant 0 : i32
      %scan3A_26 = arith.constant 128 : i32
      %scan3A_27 = arith.addi %scan3A_25, %scan3A_26 : i32
      %scan3A_28 = arith.constant 1 : i32
      scf.for %scan3A_137 = %scan3A_25 to %scan3A_27 step %scan3A_28  : i32 {
        %get3A_138 = arith.index_cast %scan3A_137 : i32 to index
        %get3A_139 = arith.constant 0 : index
        %get3A_140 = tpu.vector_load %arg8[%get3A_138, %get3A_139] {strides = array<i32>} : memref<128x128xf32, #tpu.memory_space<vmem>>, vector<16xf32>,
        %get3A_141 = arith.index_cast %scan3A_137 : i32 to index
        %get3A_142 = arith.constant 0 : index
        %get3A_143 = tpu.vector_load %arg9[%get3A_141, %get3A_142] {strides = array<i32>} : memref<128x128xf32, #tpu.memory_space<vmem>>, vector<16xf32>,
        %mul3A_144 = arith.mulf %get3A_140, %get3A_143 : vector<16xf32>
        %get3A_145 = arith.index_cast %scan3A_137 : i32 to index
        %get3A_146 = arith.constant 16 : index
        %get3A_147 = tpu.vector_load %arg8[%get3A_145, %get3A_146] {strides = array<i32>} : memref<128x128xf32, #tpu.memory_space<vmem>>, vector<16xf32>,
        %get3A_148 = arith.index_cast %scan3A_137 : i32 to index
        %get3A_149 = arith.constant 16 : index
        %get3A_150 = tpu.vector_load %arg9[%get3A_148, %get3A_149] {strides = array<i32>} : memref<128x128xf32, #tpu.memory_space<vmem>>, vector<16xf32>,
        %mul3A_151 = arith.mulf %get3A_147, %get3A_150 : vector<16xf32>
        %add3A_152 = arith.addf %mul3A_144, %mul3A_151 : vector<16xf32>
        %get3A_153 = arith.index_cast %scan3A_137 : i32 to index
        %get3A_154 = arith.constant 32 : index
        %get3A_155 = tpu.vector_load %arg8[%get3A_153, %get3A_154] {strides = array<i32>} : memref<128x128xf32, #tpu.memory_space<vmem>>, vector<16xf32>,
        %get3A_156 = arith.index_cast %scan3A_137 : i32 to index
        %get3A_157 = arith.constant 32 : index
        %get3A_158 = tpu.vector_load %arg9[%get3A_156, %get3A_157] {strides = array<i32>} : memref<128x128xf32, #tpu.memory_space<vmem>>, vector<16xf32>,
        %mul3A_159 = arith.mulf %get3A_155, %get3A_158 : vector<16xf32>
        %add3A_160 = arith.addf %add3A_152, %mul3A_159 : vector<16xf32>
        %get3A_161 = arith.index_cast %scan3A_137 : i32 to index
        %get3A_162 = arith.constant 48 : index
        %get3A_163 = tpu.vector_load %arg8[%get3A_161, %get3A_162] {strides = array<i32>} : memref<128x128xf32, #tpu.memory_space<vmem>>, vector<16xf32>,
        %get3A_164 = arith.index_cast %scan3A_137 : i32 to index
        %get3A_165 = arith.constant 48 : index
        %get3A_166 = tpu.vector_load %arg9[%get3A_164, %get3A_165] {strides = array<i32>} : memref<128x128xf32, #tpu.memory_space<vmem>>, vector<16xf32>,
        %mul3A_167 = arith.mulf %get3A_163, %get3A_166 : vector<16xf32>
        %add3A_168 = arith.addf %add3A_160, %mul3A_167 : vector<16xf32>
        %get3A_169 = arith.index_cast %scan3A_137 : i32 to index
        %get3A_170 = arith.constant 64 : index
        %get3A_171 = tpu.vector_load %arg8[%get3A_169, %get3A_170] {strides = array<i32>} : memref<128x128xf32, #tpu.memory_space<vmem>>, vector<16xf32>,
        %get3A_172 = arith.index_cast %scan3A_137 : i32 to index
        %get3A_173 = arith.constant 64 : index
        %get3A_174 = tpu.vector_load %arg9[%get3A_172, %get3A_173] {strides = array<i32>} : memref<128x128xf32, #tpu.memory_space<vmem>>, vector<16xf32>,
        %mul3A_175 = arith.mulf %get3A_171, %get3A_174 : vector<16xf32>
        %add3A_176 = arith.addf %add3A_168, %mul3A_175 : vector<16xf32>
        %get3A_177 = arith.index_cast %scan3A_137 : i32 to index
        %get3A_178 = arith.constant 80 : index
        %get3A_179 = tpu.vector_load %arg8[%get3A_177, %get3A_178] {strides = array<i32>} : memref<128x128xf32, #tpu.memory_space<vmem>>, vector<16xf32>,
        %get3A_180 = arith.index_cast %scan3A_137 : i32 to index
        %get3A_181 = arith.constant 80 : index
        %get3A_182 = tpu.vector_load %arg9[%get3A_180, %get3A_181] {strides = array<i32>} : memref<128x128xf32, #tpu.memory_space<vmem>>, vector<16xf32>,
        %mul3A_183 = arith.mulf %get3A_179, %get3A_182 : vector<16xf32>
        %add3A_184 = arith.addf %add3A_176, %mul3A_183 : vector<16xf32>
        %get3A_185 = arith.index_cast %scan3A_137 : i32 to index
        %get3A_186 = arith.constant 96 : index
        %get3A_187 = tpu.vector_load %arg8[%get3A_185, %get3A_186] {strides = array<i32>} : memref<128x128xf32, #tpu.memory_space<vmem>>, vector<16xf32>,
        %get3A_188 = arith.index_cast %scan3A_137 : i32 to index
        %get3A_189 = arith.constant 96 : index
        %get3A_190 = tpu.vector_load %arg9[%get3A_188, %get3A_189] {strides = array<i32>} : memref<128x128xf32, #tpu.memory_space<vmem>>, vector<16xf32>,
        %mul3A_191 = arith.mulf %get3A_187, %get3A_190 : vector<16xf32>
        %add3A_192 = arith.addf %add3A_184, %mul3A_191 : vector<16xf32>
        %get3A_193 = arith.index_cast %scan3A_137 : i32 to index
        %get3A_194 = arith.constant 112 : index
        %get3A_195 = tpu.vector_load %arg8[%get3A_193, %get3A_194] {strides = array<i32>} : memref<128x128xf32, #tpu.memory_space<vmem>>, vector<16xf32>,
        %get3A_196 = arith.index_cast %scan3A_137 : i32 to index
        %get3A_197 = arith.constant 112 : index
        %get3A_198 = tpu.vector_load %arg9[%get3A_196, %get3A_197] {strides = array<i32>} : memref<128x128xf32, #tpu.memory_space<vmem>>, vector<16xf32>,
        %mul3A_199 = arith.mulf %get3A_195, %get3A_198 : vector<16xf32>
        %add3A_200 = arith.addf %add3A_192, %mul3A_199 : vector<16xf32>
        %reduce_sum3A = arith.constant true
        %reduce_sum3A_201 = vector.broadcast %reduce_sum3A : i1 to vector<16xi1>
        %reduce_sum3A_202 = tpu.scan <sum>, %add3A_200 masked %reduce_sum3A_201 : vector<16xf32>, vector<16xi1> -> vector<16xf32>
        %reduce_sum3A_203 = vector.extract %reduce_sum3A_202[15] : f32 from vector<16xf32>
        %broadcast_in_dim3A = vector.broadcast %scan3A_137 : i32 to vector<16xi32>
        %broadcast_in_dim3A_204 = vector.broadcast %reduce_sum3A_203 : f32 to vector<16xf32>
        tpu.vector_store_idx %arg10[%broadcast_in_dim3A], %broadcast_in_dim3A_204 masked %eq3A_23 : memref<128xf32, #tpu.memory_space<vmem>>[vector<16xi32>], vector<16xf32>, vector<16xi1>
      }
      %scan3A_29 = arith.constant 128 : i32
      %get3A = arith.constant 0 : index
      %get3A_30 = tpu.vector_load %arg10[%get3A] {strides = array<i32>} : memref<128xf32, #tpu.memory_space<vmem>>, vector<16xf32>,
      %neg3A = arith.constant 0.000000e+00 : f32
      %neg3A_31 = vector.broadcast %neg3A : f32 to vector<16xf32>
      %neg3A_32 = arith.subf %neg3A_31, %get3A_30 : vector<16xf32>
      %exp3A = math.exp %neg3A_32 : vector<16xf32>
      %add3A_33 = arith.constant 1.000000e+00 : f32
      %add3A_34 = vector.broadcast %add3A_33 : f32 to vector<16xf32>
      %add3A_35 = arith.addf %add3A_34, %exp3A : vector<16xf32>
      %div3A = arith.constant 1.000000e+00 : f32
      %div3A_36 = vector.broadcast %div3A : f32 to vector<16xf32>
      %div3A_37 = arith.divf %div3A_36, %add3A_35 : vector<16xf32>
      %swap3A = arith.constant 0 : index
      %swap3A_38 = tpu.vector_load %arg10[%swap3A] {strides = array<i32>} : memref<128xf32, #tpu.memory_space<vmem>>, vector<16xf32>,
      tpu.vector_store %arg10[%swap3A], %div3A_37 {strides = array<i32>} : memref<128xf32, #tpu.memory_space<vmem>>, vector<16xf32>,
      %get3A_39 = arith.constant 16 : index
      %get3A_40 = tpu.vector_load %arg10[%get3A_39] {strides = array<i32>} : memref<128xf32, #tpu.memory_space<vmem>>, vector<16xf32>,
      %neg3A_41 = arith.constant 0.000000e+00 : f32
      %neg3A_42 = vector.broadcast %neg3A_41 : f32 to vector<16xf32>
      %neg3A_43 = arith.subf %neg3A_42, %get3A_40 : vector<16xf32>
      %exp3A_44 = math.exp %neg3A_43 : vector<16xf32>
      %add3A_45 = arith.constant 1.000000e+00 : f32
      %add3A_46 = vector.broadcast %add3A_45 : f32 to vector<16xf32>
      %add3A_47 = arith.addf %add3A_46, %exp3A_44 : vector<16xf32>
      %div3A_48 = arith.constant 1.000000e+00 : f32
      %div3A_49 = vector.broadcast %div3A_48 : f32 to vector<16xf32>
      %div3A_50 = arith.divf %div3A_49, %add3A_47 : vector<16xf32>
      %swap3A_51 = arith.constant 16 : index
      %swap3A_52 = tpu.vector_load %arg10[%swap3A_51] {strides = array<i32>} : memref<128xf32, #tpu.memory_space<vmem>>, vector<16xf32>,
      tpu.vector_store %arg10[%swap3A_51], %div3A_50 {strides = array<i32>} : memref<128xf32, #tpu.memory_space<vmem>>, vector<16xf32>,
      %get3A_53 = arith.constant 32 : index
      %get3A_54 = tpu.vector_load %arg10[%get3A_53] {strides = array<i32>} : memref<128xf32, #tpu.memory_space<vmem>>, vector<16xf32>,
      %neg3A_55 = arith.constant 0.000000e+00 : f32
      %neg3A_56 = vector.broadcast %neg3A_55 : f32 to vector<16xf32>
      %neg3A_57 = arith.subf %neg3A_56, %get3A_54 : vector<16xf32>
      %exp3A_58 = math.exp %neg3A_57 : vector<16xf32>
      %add3A_59 = arith.constant 1.000000e+00 : f32
      %add3A_60 = vector.broadcast %add3A_59 : f32 to vector<16xf32>
      %add3A_61 = arith.addf %add3A_60, %exp3A_58 : vector<16xf32>
      %div3A_62 = arith.constant 1.000000e+00 : f32
      %div3A_63 = vector.broadcast %div3A_62 : f32 to vector<16xf32>
      %div3A_64 = arith.divf %div3A_63, %add3A_61 : vector<16xf32>
      %swap3A_65 = arith.constant 32 : index
      %swap3A_66 = tpu.vector_load %arg10[%swap3A_65] {strides = array<i32>} : memref<128xf32, #tpu.memory_space<vmem>>, vector<16xf32>,
      tpu.vector_store %arg10[%swap3A_65], %div3A_64 {strides = array<i32>} : memref<128xf32, #tpu.memory_space<vmem>>, vector<16xf32>,
      %get3A_67 = arith.constant 48 : index
      %get3A_68 = tpu.vector_load %arg10[%get3A_67] {strides = array<i32>} : memref<128xf32, #tpu.memory_space<vmem>>, vector<16xf32>,
      %neg3A_69 = arith.constant 0.000000e+00 : f32
      %neg3A_70 = vector.broadcast %neg3A_69 : f32 to vector<16xf32>
      %neg3A_71 = arith.subf %neg3A_70, %get3A_68 : vector<16xf32>
      %exp3A_72 = math.exp %neg3A_71 : vector<16xf32>
      %add3A_73 = arith.constant 1.000000e+00 : f32
      %add3A_74 = vector.broadcast %add3A_73 : f32 to vector<16xf32>
      %add3A_75 = arith.addf %add3A_74, %exp3A_72 : vector<16xf32>
      %div3A_76 = arith.constant 1.000000e+00 : f32
      %div3A_77 = vector.broadcast %div3A_76 : f32 to vector<16xf32>
      %div3A_78 = arith.divf %div3A_77, %add3A_75 : vector<16xf32>
      %swap3A_79 = arith.constant 48 : index
      %swap3A_80 = tpu.vector_load %arg10[%swap3A_79] {strides = array<i32>} : memref<128xf32, #tpu.memory_space<vmem>>, vector<16xf32>,
      tpu.vector_store %arg10[%swap3A_79], %div3A_78 {strides = array<i32>} : memref<128xf32, #tpu.memory_space<vmem>>, vector<16xf32>,
      %get3A_81 = arith.constant 64 : index
      %get3A_82 = tpu.vector_load %arg10[%get3A_81] {strides = array<i32>} : memref<128xf32, #tpu.memory_space<vmem>>, vector<16xf32>,
      %neg3A_83 = arith.constant 0.000000e+00 : f32
      %neg3A_84 = vector.broadcast %neg3A_83 : f32 to vector<16xf32>
      %neg3A_85 = arith.subf %neg3A_84, %get3A_82 : vector<16xf32>
      %exp3A_86 = math.exp %neg3A_85 : vector<16xf32>
      %add3A_87 = arith.constant 1.000000e+00 : f32
      %add3A_88 = vector.broadcast %add3A_87 : f32 to vector<16xf32>
      %add3A_89 = arith.addf %add3A_88, %exp3A_86 : vector<16xf32>
      %div3A_90 = arith.constant 1.000000e+00 : f32
      %div3A_91 = vector.broadcast %div3A_90 : f32 to vector<16xf32>
      %div3A_92 = arith.divf %div3A_91, %add3A_89 : vector<16xf32>
      %swap3A_93 = arith.constant 64 : index
      %swap3A_94 = tpu.vector_load %arg10[%swap3A_93] {strides = array<i32>} : memref<128xf32, #tpu.memory_space<vmem>>, vector<16xf32>,
      tpu.vector_store %arg10[%swap3A_93], %div3A_92 {strides = array<i32>} : memref<128xf32, #tpu.memory_space<vmem>>, vector<16xf32>,
      %get3A_95 = arith.constant 80 : index
      %get3A_96 = tpu.vector_load %arg10[%get3A_95] {strides = array<i32>} : memref<128xf32, #tpu.memory_space<vmem>>, vector<16xf32>,
      %neg3A_97 = arith.constant 0.000000e+00 : f32
      %neg3A_98 = vector.broadcast %neg3A_97 : f32 to vector<16xf32>
      %neg3A_99 = arith.subf %neg3A_98, %get3A_96 : vector<16xf32>
      %exp3A_100 = math.exp %neg3A_99 : vector<16xf32>
      %add3A_101 = arith.constant 1.000000e+00 : f32
      %add3A_102 = vector.broadcast %add3A_101 : f32 to vector<16xf32>
      %add3A_103 = arith.addf %add3A_102, %exp3A_100 : vector<16xf32>
      %div3A_104 = arith.constant 1.000000e+00 : f32
      %div3A_105 = vector.broadcast %div3A_104 : f32 to vector<16xf32>
      %div3A_106 = arith.divf %div3A_105, %add3A_103 : vector<16xf32>
      %swap3A_107 = arith.constant 80 : index
      %swap3A_108 = tpu.vector_load %arg10[%swap3A_107] {strides = array<i32>} : memref<128xf32, #tpu.memory_space<vmem>>, vector<16xf32>,
      tpu.vector_store %arg10[%swap3A_107], %div3A_106 {strides = array<i32>} : memref<128xf32, #tpu.memory_space<vmem>>, vector<16xf32>,
      %get3A_109 = arith.constant 96 : index
      %get3A_110 = tpu.vector_load %arg10[%get3A_109] {strides = array<i32>} : memref<128xf32, #tpu.memory_space<vmem>>, vector<16xf32>,
      %neg3A_111 = arith.constant 0.000000e+00 : f32
      %neg3A_112 = vector.broadcast %neg3A_111 : f32 to vector<16xf32>
      %neg3A_113 = arith.subf %neg3A_112, %get3A_110 : vector<16xf32>
      %exp3A_114 = math.exp %neg3A_113 : vector<16xf32>
      %add3A_115 = arith.constant 1.000000e+00 : f32
      %add3A_116 = vector.broadcast %add3A_115 : f32 to vector<16xf32>
      %add3A_117 = arith.addf %add3A_116, %exp3A_114 : vector<16xf32>
      %div3A_118 = arith.constant 1.000000e+00 : f32
      %div3A_119 = vector.broadcast %div3A_118 : f32 to vector<16xf32>
      %div3A_120 = arith.divf %div3A_119, %add3A_117 : vector<16xf32>
      %swap3A_121 = arith.constant 96 : index
      %swap3A_122 = tpu.vector_load %arg10[%swap3A_121] {strides = array<i32>} : memref<128xf32, #tpu.memory_space<vmem>>, vector<16xf32>,
      tpu.vector_store %arg10[%swap3A_121], %div3A_120 {strides = array<i32>} : memref<128xf32, #tpu.memory_space<vmem>>, vector<16xf32>,
      %get3A_123 = arith.constant 112 : index
      %get3A_124 = tpu.vector_load %arg10[%get3A_123] {strides = array<i32>} : memref<128xf32, #tpu.memory_space<vmem>>, vector<16xf32>,
      %neg3A_125 = arith.constant 0.000000e+00 : f32
      %neg3A_126 = vector.broadcast %neg3A_125 : f32 to vector<16xf32>
      %neg3A_127 = arith.subf %neg3A_126, %get3A_124 : vector<16xf32>
      %exp3A_128 = math.exp %neg3A_127 : vector<16xf32>
      %add3A_129 = arith.constant 1.000000e+00 : f32
      %add3A_130 = vector.broadcast %add3A_129 : f32 to vector<16xf32>
      %add3A_131 = arith.addf %add3A_130, %exp3A_128 : vector<16xf32>
      %div3A_132 = arith.constant 1.000000e+00 : f32
      %div3A_133 = vector.broadcast %div3A_132 : f32 to vector<16xf32>
      %div3A_134 = arith.divf %div3A_133, %add3A_131 : vector<16xf32>
      %swap3A_135 = arith.constant 112 : index
      %swap3A_136 = tpu.vector_load %arg10[%swap3A_135] {strides = array<i32>} : memref<128xf32, #tpu.memory_space<vmem>>, vector<16xf32>,
      tpu.vector_store %arg10[%swap3A_135], %div3A_134 {strides = array<i32>} : memref<128xf32, #tpu.memory_space<vmem>>, vector<16xf32>,
      "tpu.region"() ({
        %run_scoped3A = tpu.sem_alloc : memref<!tpu.dma_semaphore, #tpu.memory_space<semaphore_mem>>
        %dma_start3A_137 = tpu.memref_slice %arg5[%mul3A_11] : memref<323584xf32, #tpu.memory_space<hbm>> -> memref<128xf32, #tpu.memory_space<hbm>>
        %dma_start3A_138 = tpu.memref_slice %arg5[%mul3A_11] : memref<323584xf32, #tpu.memory_space<hbm>> -> memref<128xf32, #tpu.memory_space<hbm>>
        tpu.enqueue_dma source(%arg10 : memref<128xf32, #tpu.memory_space<vmem>>) target(%dma_start3A_138 : memref<128xf32, #tpu.memory_space<hbm>>) target_semaphore(%run_scoped3A : memref<!tpu.dma_semaphore, #tpu.memory_space<semaphore_mem>>)
        %dma_wait3A_139 = tpu.memref_slice %arg5[%mul3A_11] : memref<323584xf32, #tpu.memory_space<hbm>> -> memref<128xf32, #tpu.memory_space<hbm>>
        %dma_wait3A_140 = tpu.memref_slice %arg5[%mul3A_11] : memref<323584xf32, #tpu.memory_space<hbm>> -> memref<128xf32, #tpu.memory_space<hbm>>
        tpu.wait_dma2 semaphore(%run_scoped3A : memref<!tpu.dma_semaphore, #tpu.memory_space<semaphore_mem>>) src(%arg10 : memref<128xf32, #tpu.memory_space<vmem>>) dst(%dma_wait3A_140 : memref<128xf32, #tpu.memory_space<hbm>>)
        tpu.yield
      }) : () -> ()
    }
    %scan3A_5 = arith.constant 79 : i32
    return
  }
}

module attributes {stable_mosaic.version = 14 : i64} {
  func.func @_tc1_body(%arg0: memref<10000x128xf32, #tpu.memory_space<vmem>>, %arg1: memref<128x256xf32, #tpu.memory_space<vmem>>, %arg2: memref<1x256xf32, #tpu.memory_space<vmem>>, %arg3: memref<256x256xf32, #tpu.memory_space<vmem>>, %arg4: memref<2x256xf32, #tpu.memory_space<vmem>>, %arg5: memref<10000x128xf32, #tpu.memory_space<vmem>>, %arg6: memref<10000x128xf32, #tpu.memory_space<vmem>>, %arg7: memref<10000x2xf32, #tpu.memory_space<vmem>>) attributes {dimension_semantics = [], scalar_prefetch = 0 : i64, scratch_operands = 0 : i64, tpu.core_type = #tpu.core_type<tc>} {
    %get3A = arith.constant 0 : index
    %get3A_0 = arith.constant 0 : index
    %get3A_1 = vector.load %arg0[%get3A, %get3A_0] : memref<10000x128xf32, #tpu.memory_space<vmem>>, vector<10000x128xf32>
    %get3A_2 = arith.constant 0 : index
    %get3A_3 = arith.constant 0 : index
    %get3A_4 = vector.load %arg1[%get3A_2, %get3A_3] : memref<128x256xf32, #tpu.memory_space<vmem>>, vector<128x256xf32>
    %dot_general3A = arith.constant dense<0.000000e+00> : vector<10000x256xf32>
    %dot_general3A_5 = tpu.matmul %get3A_1, %get3A_4, %dot_general3A {dimension_numbers = #tpu.dot_dimension_numbers<[1], [0], [0], [1], [0, 0, 1, 1], [], []>, transpose_lhs_hint = false} : vector<10000x128xf32>, vector<128x256xf32>, vector<10000x256xf32> -> vector<10000x256xf32>
    %get3A_6 = arith.constant 0 : index
    %get3A_7 = arith.constant 0 : index
    %get3A_8 = vector.load %arg2[%get3A_6, %get3A_7] : memref<1x256xf32, #tpu.memory_space<vmem>>, vector<1x256xf32>
    %add3A = vector.broadcast %get3A_8 : vector<1x256xf32> to vector<10000x256xf32>
    %add3A_9 = arith.addf %dot_general3A_5, %add3A : vector<10000x256xf32>
    %max3A = arith.constant 0.000000e+00 : f32
    %max3A_10 = vector.broadcast %max3A : f32 to vector<10000x256xf32>
    %max3A_11 = arith.maximumf %add3A_9, %max3A_10 : vector<10000x256xf32>
    %get3A_12 = arith.constant 0 : index
    %get3A_13 = arith.constant 0 : index
    %get3A_14 = vector.load %arg3[%get3A_12, %get3A_13] : memref<256x256xf32, #tpu.memory_space<vmem>>, vector<256x256xf32>
    %dot_general3A_15 = arith.constant dense<0.000000e+00> : vector<10000x256xf32>
    %dot_general3A_16 = tpu.matmul %max3A_11, %get3A_14, %dot_general3A_15 {dimension_numbers = #tpu.dot_dimension_numbers<[1], [0], [0], [1], [0, 0, 1, 1], [], []>, transpose_lhs_hint = false} : vector<10000x256xf32>, vector<256x256xf32>, vector<10000x256xf32> -> vector<10000x256xf32>
    %slice3A = vector.extract_strided_slice %dot_general3A_16 {offsets = [0, 0], sizes = [10000, 128], strides = [1, 1]} : vector<10000x256xf32> to vector<10000x128xf32>
    %swap3A = arith.constant 0 : index
    %swap3A_17 = arith.constant 0 : index
    %swap3A_18 = vector.load %arg5[%swap3A, %swap3A_17] : memref<10000x128xf32, #tpu.memory_space<vmem>>, vector<10000x128xf32>
    tpu.vector_store %arg5[%swap3A, %swap3A_17], %slice3A {strides = array<i32>} : memref<10000x128xf32, #tpu.memory_space<vmem>>, vector<10000x128xf32>,
    %slice3A_19 = vector.extract_strided_slice %dot_general3A_16 {offsets = [0, 128], sizes = [10000, 128], strides = [1, 1]} : vector<10000x256xf32> to vector<10000x128xf32>
    %swap3A_20 = arith.constant 0 : index
    %swap3A_21 = arith.constant 0 : index
    %swap3A_22 = vector.load %arg6[%swap3A_20, %swap3A_21] : memref<10000x128xf32, #tpu.memory_space<vmem>>, vector<10000x128xf32>
    tpu.vector_store %arg6[%swap3A_20, %swap3A_21], %slice3A_19 {strides = array<i32>} : memref<10000x128xf32, #tpu.memory_space<vmem>>, vector<10000x128xf32>,
    %get3A_23 = arith.constant 0 : index
    %get3A_24 = arith.constant 0 : index
    %get3A_25 = vector.load %arg4[%get3A_23, %get3A_24] : memref<2x256xf32, #tpu.memory_space<vmem>>, vector<1x256xf32>
    %mul3A = vector.broadcast %get3A_25 : vector<1x256xf32> to vector<10000x256xf32>
    %mul3A_26 = arith.mulf %dot_general3A_16, %mul3A : vector<10000x256xf32>
    %reduce_sum3A = arith.constant dense<0.000000e+00> : vector<10000xf32>
    %reduce_sum3A_27 = vector.multi_reduction <add>, %mul3A_26, %reduce_sum3A [1] : vector<10000x256xf32> to vector<10000xf32>
    %broadcast_in_dim3A = vector.shape_cast %reduce_sum3A_27 : vector<10000xf32> to vector<10000x1xf32>
    %get3A_28 = arith.constant 1 : index
    %get3A_29 = arith.constant 0 : index
    %get3A_30 = vector.load %arg4[%get3A_28, %get3A_29] : memref<2x256xf32, #tpu.memory_space<vmem>>, vector<1x256xf32>
    %mul3A_31 = vector.broadcast %get3A_30 : vector<1x256xf32> to vector<10000x256xf32>
    %mul3A_32 = arith.mulf %dot_general3A_16, %mul3A_31 : vector<10000x256xf32>
    %reduce_sum3A_33 = arith.constant dense<0.000000e+00> : vector<10000xf32>
    %reduce_sum3A_34 = vector.multi_reduction <add>, %mul3A_32, %reduce_sum3A_33 [1] : vector<10000x256xf32> to vector<10000xf32>
    %broadcast_in_dim3A_35 = vector.shape_cast %reduce_sum3A_34 : vector<10000xf32> to vector<10000x1xf32>
    %concatenate3A = tpu.concatenate %broadcast_in_dim3A, %broadcast_in_dim3A_35 in 1 : vector<10000x1xf32>, vector<10000x1xf32> -> vector<10000x2xf32>
    %swap3A_36 = arith.constant 0 : index
    %swap3A_37 = arith.constant 0 : index
    %swap3A_38 = vector.load %arg7[%swap3A_36, %swap3A_37] : memref<10000x2xf32, #tpu.memory_space<vmem>>, vector<10000x2xf32>
    tpu.vector_store %arg7[%swap3A_36, %swap3A_37], %concatenate3A {strides = array<i32>} : memref<10000x2xf32, #tpu.memory_space<vmem>>, vector<10000x2xf32>,
    return
  }
}

module attributes {stable_mosaic.version = 14 : i64} {
  func.func @_tc2_body(%arg0: memref<10000x128xf32, #tpu.memory_space<vmem>>, %arg1: memref<10000x128xf32, #tpu.memory_space<vmem>>, %arg2: memref<16x10000xf32, #tpu.memory_space<vmem>>, %arg3: memref<1x256xf32, #tpu.memory_space<vmem>>, %arg4: memref<256x128xf32, #tpu.memory_space<vmem>>, %arg5: memref<2x128xf32, #tpu.memory_space<vmem>>, %arg6: memref<10000x128xf32, #tpu.memory_space<vmem>>, %arg7: memref<10000x2xf32, #tpu.memory_space<vmem>>) attributes {dimension_semantics = [], scalar_prefetch = 0 : i64, scratch_operands = 0 : i64, tpu.core_type = #tpu.core_type<tc>} {
    %get3A = arith.constant 0 : index
    %get3A_0 = arith.constant 0 : index
    %get3A_1 = vector.load %arg2[%get3A, %get3A_0] : memref<16x10000xf32, #tpu.memory_space<vmem>>, vector<16x10000xf32>
    %reduce_sum3A = arith.constant dense<0.000000e+00> : vector<10000xf32>
    %reduce_sum3A_2 = vector.multi_reduction <add>, %get3A_1, %reduce_sum3A [0] : vector<16x10000xf32> to vector<10000xf32>
    %broadcast_in_dim3A = vector.shape_cast %reduce_sum3A_2 : vector<10000xf32> to vector<1x10000xf32>
    %add3A = arith.constant 1.000000e-16 : f32
    %add3A_3 = vector.broadcast %add3A : f32 to vector<1x10000xf32>
    %add3A_4 = arith.addf %broadcast_in_dim3A, %add3A_3 : vector<1x10000xf32>
    %get3A_5 = arith.constant 0 : index
    %get3A_6 = arith.constant 0 : index
    %get3A_7 = vector.load %arg0[%get3A_5, %get3A_6] : memref<10000x128xf32, #tpu.memory_space<vmem>>, vector<10000x128xf32>
    %get3A_8 = arith.constant 0 : index
    %get3A_9 = arith.constant 0 : index
    %get3A_10 = vector.load %arg1[%get3A_8, %get3A_9] : memref<10000x128xf32, #tpu.memory_space<vmem>>, vector<10000x128xf32>
    %concatenate3A = tpu.concatenate %get3A_7, %get3A_10 in 1 : vector<10000x128xf32>, vector<10000x128xf32> -> vector<10000x256xf32>
    %transpose3A = tpu.transpose %add3A_4, [1, 0] : vector<1x10000xf32> -> vector<10000x1xf32>
    %div3A = vector.broadcast %transpose3A : vector<10000x1xf32> to vector<10000x256xf32>
    %div3A_11 = arith.divf %concatenate3A, %div3A : vector<10000x256xf32>
    %get3A_12 = arith.constant 0 : index
    %get3A_13 = arith.constant 0 : index
    %get3A_14 = vector.load %arg3[%get3A_12, %get3A_13] : memref<1x256xf32, #tpu.memory_space<vmem>>, vector<1x256xf32>
    %add3A_15 = vector.broadcast %get3A_14 : vector<1x256xf32> to vector<10000x256xf32>
    %add3A_16 = arith.addf %div3A_11, %add3A_15 : vector<10000x256xf32>
    %max3A = arith.constant 0.000000e+00 : f32
    %max3A_17 = vector.broadcast %max3A : f32 to vector<10000x256xf32>
    %max3A_18 = arith.maximumf %add3A_16, %max3A_17 : vector<10000x256xf32>
    %get3A_19 = arith.constant 0 : index
    %get3A_20 = arith.constant 0 : index
    %get3A_21 = vector.load %arg4[%get3A_19, %get3A_20] : memref<256x128xf32, #tpu.memory_space<vmem>>, vector<256x128xf32>
    %dot_general3A = arith.constant dense<0.000000e+00> : vector<10000x128xf32>
    %dot_general3A_22 = tpu.matmul %max3A_18, %get3A_21, %dot_general3A {dimension_numbers = #tpu.dot_dimension_numbers<[1], [0], [0], [1], [0, 0, 1, 1], [], []>, transpose_lhs_hint = false} : vector<10000x256xf32>, vector<256x128xf32>, vector<10000x128xf32> -> vector<10000x128xf32>
    %swap3A = arith.constant 0 : index
    %swap3A_23 = arith.constant 0 : index
    %swap3A_24 = vector.load %arg6[%swap3A, %swap3A_23] : memref<10000x128xf32, #tpu.memory_space<vmem>>, vector<10000x128xf32>
    tpu.vector_store %arg6[%swap3A, %swap3A_23], %dot_general3A_22 {strides = array<i32>} : memref<10000x128xf32, #tpu.memory_space<vmem>>, vector<10000x128xf32>,
    %get3A_25 = arith.constant 0 : index
    %get3A_26 = arith.constant 0 : index
    %get3A_27 = vector.load %arg5[%get3A_25, %get3A_26] : memref<2x128xf32, #tpu.memory_space<vmem>>, vector<1x128xf32>
    %mul3A = vector.broadcast %get3A_27 : vector<1x128xf32> to vector<10000x128xf32>
    %mul3A_28 = arith.mulf %dot_general3A_22, %mul3A : vector<10000x128xf32>
    %reduce_sum3A_29 = arith.constant dense<0.000000e+00> : vector<10000xf32>
    %reduce_sum3A_30 = vector.multi_reduction <add>, %mul3A_28, %reduce_sum3A_29 [1] : vector<10000x128xf32> to vector<10000xf32>
    %broadcast_in_dim3A_31 = vector.shape_cast %reduce_sum3A_30 : vector<10000xf32> to vector<10000x1xf32>
    %get3A_32 = arith.constant 1 : index
    %get3A_33 = arith.constant 0 : index
    %get3A_34 = vector.load %arg5[%get3A_32, %get3A_33] : memref<2x128xf32, #tpu.memory_space<vmem>>, vector<1x128xf32>
    %mul3A_35 = vector.broadcast %get3A_34 : vector<1x128xf32> to vector<10000x128xf32>
    %mul3A_36 = arith.mulf %dot_general3A_22, %mul3A_35 : vector<10000x128xf32>
    %reduce_sum3A_37 = arith.constant dense<0.000000e+00> : vector<10000xf32>
    %reduce_sum3A_38 = vector.multi_reduction <add>, %mul3A_36, %reduce_sum3A_37 [1] : vector<10000x128xf32> to vector<10000xf32>
    %broadcast_in_dim3A_39 = vector.shape_cast %reduce_sum3A_38 : vector<10000xf32> to vector<10000x1xf32>
    %concatenate3A_40 = tpu.concatenate %broadcast_in_dim3A_31, %broadcast_in_dim3A_39 in 1 : vector<10000x1xf32>, vector<10000x1xf32> -> vector<10000x2xf32>
    %swap3A_41 = arith.constant 0 : index
    %swap3A_42 = arith.constant 0 : index
    %swap3A_43 = vector.load %arg7[%swap3A_41, %swap3A_42] : memref<10000x2xf32, #tpu.memory_space<vmem>>, vector<10000x2xf32>
    tpu.vector_store %arg7[%swap3A_41, %swap3A_42], %concatenate3A_40 {strides = array<i32>} : memref<10000x2xf32, #tpu.memory_space<vmem>>, vector<10000x2xf32>,
    return
  }
}

module attributes {stable_mosaic.version = 14 : i64} {
  func.func @_tc3_body(%arg0: memref<10000x128xf32, #tpu.memory_space<vmem>>, %arg1: memref<10000x128xf32, #tpu.memory_space<vmem>>, %arg2: memref<32x10000xf32, #tpu.memory_space<vmem>>, %arg3: memref<1x128xf32, #tpu.memory_space<vmem>>, %arg4: memref<10000x128xf32, #tpu.memory_space<vmem>>) attributes {dimension_semantics = [], scalar_prefetch = 0 : i64, scratch_operands = 0 : i64, tpu.core_type = #tpu.core_type<tc>} {
    %get3A = arith.constant 0 : index
    %get3A_0 = arith.constant 0 : index
    %get3A_1 = vector.load %arg2[%get3A, %get3A_0] : memref<32x10000xf32, #tpu.memory_space<vmem>>, vector<32x10000xf32>
    %reduce_sum3A = arith.constant dense<0.000000e+00> : vector<10000xf32>
    %reduce_sum3A_2 = vector.multi_reduction <add>, %get3A_1, %reduce_sum3A [0] : vector<32x10000xf32> to vector<10000xf32>
    %broadcast_in_dim3A = vector.shape_cast %reduce_sum3A_2 : vector<10000xf32> to vector<1x10000xf32>
    %add3A = arith.constant 1.000000e-16 : f32
    %add3A_3 = vector.broadcast %add3A : f32 to vector<1x10000xf32>
    %add3A_4 = arith.addf %broadcast_in_dim3A, %add3A_3 : vector<1x10000xf32>
    %get3A_5 = arith.constant 0 : index
    %get3A_6 = arith.constant 0 : index
    %get3A_7 = vector.load %arg0[%get3A_5, %get3A_6] : memref<10000x128xf32, #tpu.memory_space<vmem>>, vector<10000x128xf32>
    %get3A_8 = arith.constant 0 : index
    %get3A_9 = arith.constant 0 : index
    %get3A_10 = vector.load %arg1[%get3A_8, %get3A_9] : memref<10000x128xf32, #tpu.memory_space<vmem>>, vector<10000x128xf32>
    %add3A_11 = arith.addf %get3A_7, %get3A_10 : vector<10000x128xf32>
    %transpose3A = tpu.transpose %add3A_4, [1, 0] : vector<1x10000xf32> -> vector<10000x1xf32>
    %div3A = vector.broadcast %transpose3A : vector<10000x1xf32> to vector<10000x128xf32>
    %div3A_12 = arith.divf %add3A_11, %div3A : vector<10000x128xf32>
    %get3A_13 = arith.constant 0 : index
    %get3A_14 = arith.constant 0 : index
    %get3A_15 = vector.load %arg3[%get3A_13, %get3A_14] : memref<1x128xf32, #tpu.memory_space<vmem>>, vector<1x128xf32>
    %add3A_16 = vector.broadcast %get3A_15 : vector<1x128xf32> to vector<10000x128xf32>
    %add3A_17 = arith.addf %div3A_12, %add3A_16 : vector<10000x128xf32>
    %swap3A = arith.constant 0 : index
    %swap3A_18 = arith.constant 0 : index
    %swap3A_19 = vector.load %arg4[%swap3A, %swap3A_18] : memref<10000x128xf32, #tpu.memory_space<vmem>>, vector<10000x128xf32>
    tpu.vector_store %arg4[%swap3A, %swap3A_18], %add3A_17 {strides = array<i32>} : memref<10000x128xf32, #tpu.memory_space<vmem>>, vector<10000x128xf32>,
    return
  }
}

</mosaic_0001>

<sc_bundles>
// kernel: kernel.11.cloned.1.call-start
scs
__scs_entry_jumppad:
0x0: {  	(pc) =	sbr.rel $0x88, $3  }
0x1: {  	(tag) =	ssettag $0x0;
	lr =	simm.s32 $0x1  }
0x2: {  	[smem:$0x3F94] =	sst lr;
	_ =	strace $0xD0000000  }
0x3: {  	_ = 	snop  }
0x4: {  	_ = 	snop  }
0x5: {  	_ = 	snop  }
0x6: {  	_ = 	snop  }
0x7: {  	_ = 	snop  }
__scs_overlays_trampoline_lowered:
0x8: {  	[smem:$0x3FA3] =	sst s0  }
0x9: {  	[smem:$0x3FA4] =	sst s1  }
0xa: {  	[smem:$0x3FA5] =	sst s2  }
0xb: {  	[smem:$0x3FA6] =	sst s3  }
0xc: {  	[smem:$0x3FA7] =	sst s4  }
0xd: {  	[smem:$0x3FA8] =	sst s5  }
0xe: {  	[smem:$0x3FA9] =	sst s6  }
0xf: {  	[smem:$0x3FAA] =	sst s7  }
0x10: {  	[smem:$0x3FAB] =	sst s8  }
0x11: {  	[smem:$0x3FAC] =	sst s9;
	s0 =	simm.s32 @!p0 $0x0  }
0x12: {  	s1 =	sld [smem:$0x3F92];
	s0 =	simm.s32 @p0 $0x1  }
0x13: {  	[smem:$0x3FAD] =	sst s0;
	s0 =	simm.s32 @!p1 $0x0  }
0x14: {  	s2 =	sld [smem:$0x3F91];
	s0 =	simm.s32 @p1 $0x1  }
0x15: {  	[smem:$0x3FAE] =	sst s0;
	s0 =	simm.s32 @!p2 $0x0  }
0x16: {  	s3 =	sld [smem:$0x3FDB];
	s0 =	simm.s32 @p2 $0x1  }
0x17: {  	s4 =	simm.s32 $0x1BF5;
	[smem:$0x3FB0] =	sst s0  }
0x18: {  	s0 =	sld [smem:$0x3F93];
	_ =	swait.ge [sflag:s4], $0x0  }
0x19: {  	s7 =	sld [smem:$0x3F94]  }
0x1a: {  	s8 =	sadd.s32 $0xFFFFE003, lr  }
0x1b: {  	s9 =	sadd.s32 $0xFFFFFEF7, lr;
	s5 =	simm.s32 $0xFFFFFFFF;
	p2 =	slt.u32 s8, $0xFFFFF086  }
0x1c: {  	p1 =	slt.u32 s9, $0xF7A;
	s5 =	simm.s32 @!p2 $0x0  }
0x1d: {  	s5 =	simm.s32 @p1 $0x1;
	p0 =	seq.s32 s7, s2  }
0x1e: {  	s7 =	smul.u32 @!p0 $0xF7A, s2;
	p2 =	seq.s32 @!p0 s5, $0x0  }
0x1f: {  	s9 =	smul.u32 $0xF7A, s1;
	s8 =	simm.s32 @!p0 $0x1BF5;
	p2 =	por !p2, p0  }
0x20: {  	[sflag:s8] =	ssyncset.s32 @!p0 $0xFFFFF086;
	s6 =	sadd.s32 @!p0 s3, s7;
	s7 =	simm.s32 @!p0 $0x108  }
0x21: {  	s3 =	sadd.s32 s3, s9;
	s6 =	sadd.s32 @!p0 $0x88, s6;
	s7 =	simm.s32 @p2 $0x1082  }
0x22: {  	[simem:s7], [sflag:s8] =	dma.local @!p0 [hbm:s6], $0xF7A  }
0x23: {  	s9 =	sor.u32 $0xD0000000, s2;
	s6 =	simm.s32 $0x108;
	_ =	swait.ge @!p0 [sflag:s8], $0x0  }
0x24: {  	s3 =	sadd.s32 $0x88, s3;
	s6 =	simm.s32 @!p1 $0x1082;
	[sflag:s4] =	ssyncset.s32 $0xFFFFF086  }
0x25: {  	[simem:s6], [sflag:s4] =	dma.local [hbm:s3], $0xF7A  }
0x26: {  	[smem:$0x3F94] =	sst s1;
	(tag) =	ssettag s2;
	_ =	strace s9  }
0x27: {  	s1 =	sld [smem:$0x3FA4]  }
0x28: {  	s2 =	sld [smem:$0x3FA5]  }
0x29: {  	s4 =	sld [smem:$0x3FA7]  }
0x2a: {  	p0 =	seq.s32 s5, $0x0;
	s5 =	sld [smem:$0x3FA8]  }
0x2b: {  	s6 =	sld [smem:$0x3FA9]  }
0x2c: {  	s7 =	sld [smem:$0x3FAA]  }
0x2d: {  	s3 =	simm.s32 $0x108;
	s8 =	sld [smem:$0x3FAB]  }
0x2e: {  	s3 =	simm.s32 @!p0 $0x1082;
	s9 =	sld [smem:$0x3FAC]  }
0x2f: {  	lr =	sadd.s32 s0, s3;
	s0 =	sld [smem:$0x3FA3]  }
0x30: {  	s3 =	sld [smem:$0x3FA6]  }
0x31: {  	[smem:$0x3FAF] =	sst s10  }
0x32: {  	s10 =	sld [smem:$0x3FAD];
	_ =	sdelay $0x3  }
0x33: {  	p0 =	seq.s32 s10, $0x1;
	s10 =	sld [smem:$0x3FAF];
	_ =	sdelay $0x3  }
0x34: {  	[smem:$0x3FAF] =	sst s10  }
0x35: {  	s10 =	sld [smem:$0x3FAE];
	_ =	sdelay $0x3  }
0x36: {  	p1 =	seq.s32 s10, $0x1;
	s10 =	sld [smem:$0x3FAF];
	_ =	sdelay $0x3  }
0x37: {  	[smem:$0x3FAF] =	sst s10  }
0x38: {  	s10 =	sld [smem:$0x3FB0]  }
0x39: {  	_ = 	snop;
	(pc) =	sbr.ind lr, $3  }
0x3a: {  	_ = 	snop  }
0x3b: {  	_ = 	snop  }
0x3c: {  	p2 =	seq.s32 s10, $0x1;
	s10 =	sld [smem:$0x3FAF]  }
0x3d: {  	_ =	shalt  }
0x3e: {  	_ =	shalt  }
0x3f: {  	_ =	shalt  }
0x40: {  	_ =	shalt  }
0x41: {  	_ =	shalt  }
0x42: {  	_ =	shalt  }
0x43: {  	_ =	shalt  }
0x44: {  	_ =	shalt  }
0x45: {  	_ =	shalt  }
0x46: {  	_ =	shalt  }
0x47: {  	_ =	shalt  }
0x48: {  	_ =	shalt  }
0x49: {  	_ =	shalt  }
0x4a: {  	_ =	shalt  }
0x4b: {  	_ =	shalt  }
0x4c: {  	_ =	shalt  }
0x4d: {  	_ =	shalt  }
0x4e: {  	_ =	shalt  }
0x4f: {  	_ =	shalt  }
0x50: {  	_ =	shalt  }
0x51: {  	_ =	shalt  }
0x52: {  	_ =	shalt  }
0x53: {  	_ =	shalt  }
0x54: {  	_ =	shalt  }
0x55: {  	_ =	shalt  }
0x56: {  	_ =	shalt  }
0x57: {  	_ =	shalt  }
0x58: {  	_ =	shalt  }
0x59: {  	_ =	shalt  }
0x5a: {  	_ =	shalt  }
0x5b: {  	_ =	shalt  }
0x5c: {  	_ =	shalt  }
0x5d: {  	_ =	shalt  }
0x5e: {  	_ =	shalt  }
0x5f: {  	_ =	shalt  }
0x60: {  	_ =	shalt  }
0x61: {  	_ =	shalt  }
0x62: {  	_ =	shalt  }
0x63: {  	_ =	shalt  }
0x64: {  	_ =	shalt  }
0x65: {  	_ =	shalt  }
0x66: {  	_ =	shalt  }
0x67: {  	_ =	shalt  }
0x68: {  	_ =	shalt  }
0x69: {  	_ =	shalt  }
0x6a: {  	_ =	shalt  }
0x6b: {  	_ =	shalt  }
0x6c: {  	_ =	shalt  }
0x6d: {  	_ =	shalt  }
0x6e: {  	_ =	shalt  }
0x6f: {  	_ =	shalt  }
0x70: {  	_ =	shalt  }
0x71: {  	_ =	shalt  }
0x72: {  	_ =	shalt  }
0x73: {  	_ =	shalt  }
0x74: {  	_ =	shalt  }
0x75: {  	_ =	shalt  }
0x76: {  	_ =	shalt  }
0x77: {  	_ =	shalt  }
0x78: {  	_ =	shalt  }
0x79: {  	_ =	shalt  }
0x7a: {  	_ =	shalt  }
0x7b: {  	_ =	shalt  }
0x7c: {  	_ =	shalt  }
0x7d: {  	_ =	shalt  }
0x7e: {  	_ =	shalt  }
0x7f: {  	_ =	shalt  }
0x80: {  	_ =	shalt  }
0x81: {  	_ =	shalt  }
0x82: {  	_ =	shalt  }
0x83: {  	_ =	shalt  }
0x84: {  	_ =	shalt  }
0x85: {  	_ =	shalt  }
0x86: {  	_ =	shalt  }
0x87: {  	_ =	shalt  }
.Lfunc_end0:
.L_simem_size_0:
called_computation.1_lowered:
.L_overlay_start_0:
0x88: {  	s2 =	sld [smem:$0x3FD9]  }
0x89: {  	s3 =	sld [smem:$0x3FFE];
	_ =	sdelay $0x1  }
0x8a: {  	s1 =	srdreg.scid  }
0x8b: {  	s0 =	sand.u32 $0x1, s1  }
0x8c: {  	s17 =	sshll.u32 s0, $0xA;
	s2 =	sadd.s32 s3, s2  }
0x8d: {  	s2 =	sadd.s32 s2, s17  }
0x8e: {  	[smem:$0x3FBB] =	sst s2  }
0x8f: {  	_ = 	snop  }
0x90: {  	s2 =	sld [smem:$0x3FD0];
	(tm) =	ssettm $0x1  }
0x91: {  	s18 =	sld [smem:$0x3FFB];
	_ =	sdelay $0x3  }
0x92: {  	_ =	strace s18  }
0x93: {  	s3 =	sld [smem:$0x3FFC];
	_ =	sdelay $0x3  }
0x94: {  	_ =	strace s3  }
0x95: {  	s3 =	sld [smem:$0x3FFD];
	_ =	sdelay $0x3  }
0x96: {  	_ =	strace s3  }
0x97: {  	_ =	strace $0x8FFFFFFF  }
0x98: {  	s19 =	sld [smem:$0x3FDB];
	_ =	sdelay $0x1  }
0x99: {  	s4 =	simm.s32 $_scs_section_size  }
0x9a: {  	s5 =	simm.s32 $_size__tile_overlayer_lowered;
	s6 =	simm.s32 $_tile_overlayer_lowered  }
0x9b: {  	s22 =	simm.s32 $0x1BFF;
	s21 =	sshll.u32 s6, $0x1;
	s3 =	sadd.s32 s4, s19  }
0x9c: {  	s7 =	simm.s32 $0x0;
	s20 =	sshll.u32 s5, $0x1;
	s5 =	sadd.s32 s21, s3  }
0x9d: {  	[timem:s7], [sflag:s22] =	dma.local [hbm:s5], s20  }
0x9e: {  	_ =	swait.ge [sflag:s22], s20  }
0x9f: {  	s4 =	ssub.s32 $0x0, s20;
	[sflag:s22] =	ssyncset.done $0x0  }
0xa0: {  	[sflag:s22] =	ssyncadd.s32 s4;
	_ =	sdelay $0x1  }
0xa1: {  	s23 =	simm.s32 $0x1B8B  }
0xa2: {  	_ =	swait.ge [sflag:s23], $0x1  }
0xa3: {  	[sflag:s23] =	ssyncset.done $0x0  }
0xa4: {  	s25 =	simm.s32 $0x1B8E;
	s24 =	sld [smem:$0x3FFE];
	[sflag:s23] =	ssyncadd.s32 $0xFFFFFFFF  }
0xa5: {  	s26 =	simm.s32 $execute0_lowered;
	[smem:$0x3FD2] =	sst s25  }
0xa6: {  	s5 =	sshll.u32 s26, $0x1;
	_ =	strace $0x80000049;
	[dreg:$0x1] =	wrdreg $0xFFFFFFFF  }
0xa7: {  	s28 =	simm.s32 $_size_execute0_lowered;
	s3 =	sadd.s32 s3, s5;
	[dreg:$0x0] =	wrdreg $0x0  }
0xa8: {  	s5 =	sshll.u32 s28, $0x1;
	[dreg:$0x2] =	wrdreg s3  }
0xa9: {  	[dreg:$0x3] =	wrdreg s5  }
0xaa: {  	[dreg:$0x4] =	wrdreg $0xC0  }
0xab: {  	_ =	task [dreg:s7], $0x5FFFF  }
0xac: {  	[dreg:$0x1] =	wrdreg $0xFFFFFFFF  }
0xad: {  	[dreg:$0x0] =	wrdreg $0x60  }
0xae: {  	[dreg:$0x2] =	wrdreg s24  }
0xaf: {  	[dreg:$0x3] =	wrdreg s2  }
0xb0: {  	[dreg:$0x4] =	wrdreg $0xB8000  }
0xb1: {  	[dreg:$0x5] =	wrdreg $0x9  }
0xb2: {  	_ =	task.clear_ibuf [dreg:s7], $0x6FFFF;
	_ =	strace $0x90000049  }
0xb3: {  	s29 =	simm.s32 $0x9;
	_ =	strace $0x8000004B  }
0xb4: {  	_ =	swait.ge [sflag:s29], $0x1  }
0xb5: {  	[sflag:s29] =	ssyncadd.s32 $0xFFFFFFFF  }
0xb6: {  	_ =	strace $0x9000004B  }
0xb7: {  	_ =	sfence  }
0xb8: {  	s30 =	sld [smem:$0x0];
	_ =	sdelay $0x2  }
0xb9: {  	s31 =	sshll.u32 s1, $0xD;
	s1 =	sshrl.u32 s1, $0x2  }
0xba: {  	s3 =	sand.u32 $0x4000, s31;
	s1 =	sadd.s32 s1, s30  }
0xbb: {  	s0 =	sor.u32 s3, s0;
	s1 =	sshll.u32 s1, $0x11  }
0xbc: {  	s0 =	sor.u32 s1, s0  }
0xbd: {  	s0 =	sadd.s32 $0x8F2B, s0  }
0xbe: {  	[sflag:s0] =	ssyncadd.remote.s32 $0x1  }
0xbf: {  	_ =	sfence.sel $0xFFFF  }
0xc0: {  	[dreg:$0x0] =	wrdreg $0xFFFFFFFF;
	(pc) =	sbr.abs _section_cstart, $3  }
0xc1: {  	[dreg:$0x1] =	wrdreg $0xFFFFFFFF  }
0xc2: {  	_ =	task.clear_ibuf [dreg:s7], $0x2FFFF;
	_ =	strace $0x9FFFFFFF  }
0xc3: {  	(tm) =	ssettm $0x7FFFFFFF  }
tec
execute0_lowered:
.L_overlay_start_1:
0x0: {  	(tag) =	ssettag $0x1  }
0x1: {  	s0 =	rddreg [dreg:$0x0];
	s1 =	srdreg.scid  }
0x2: {  	s3 =	rddreg [dreg:$0x2];
	s4 =	simm.s32 $0x0;
	s18 =	simm.s32 $0x7800  }
0x3: {  	s19 =	simm.s32 $0x2;
	s20 =	simm.s32 $0x7680;
	s2 =	sand.u32 $0x1, s1  }
0x4: {  	s21 =	simm.s32 $0x7700;
	s1 =	stileid.u32;
	s8 =	smul.u32 $0x140000, s2  }
0x5: {  	s22 =	simm.s32 $0x80;
	s28 =	simm.s32 $0x0;
	s9 =	smul.u32 $0x14000, s1  }
0x6: {  	[smem:$0x7FF] =	sst s4;
	s5 =	sadd.s32 $0x17A00, s0;
	s10 =	smul.u32 $0x28000, s2  }
0x7: {  	s7 =	sadd.s32 $0xD800, s0;
	s6 =	sshrl.u32 s1, $0x3;
	s25 =	smul.u32 $0x50000, s1  }
0x8: {  	s29 =	ssub.s32 $0x2, s2;
	s31 =	sshll.u32 s2, $0x4;
	s2 =	smul.u32 $0x28800, s2  }
0x9: {  	_ =	strace $0x8000004A;
	s12 =	sshll.u32 s1, $0x7;
	s17 =	smul.u32 $0x2880, s1  }
0xa: {  	s11 =	smul.u32 $0x14000, s6;
	s6 =	sadd.s32 $0x3600, s0;
	s24 =	sand.u32 $0x380, s12  }
0xb: {  	s30 =	sshrl.u32 s29, $0x1;
	s13 =	sor.u32 s1, s31;
	s8 =	sadd.s32 s9, s8  }
0xc: {  	s16 =	ssub.s32 s29, s30;
	s13 =	smul.u32 $0x2880, s13;
	s17 =	sadd.s32 s17, s2  }
0xd: {  	s23 =	sadd.s32 s10, s11;
	s8 =	sshrl.u32 s8, $0x3;
	s10 =	sshrl.u32 s25, $0x2  }
0xe: {  	s16 =	smax.u32 s16, $0x1;
	s25 =	simm.s32 $0x7780;
	s9 =	sor.u32 s24, s23  }
0xf: {  	s14 =	sadd.s32 s8, s0;
	s8 =	sadd.s32 s10, s3;
	s23 =	simm.s32 $0x1  }
0x10: {  	s24 =	simm.s32 $0x4E80;
	s26 =	sshrl.u32 s9, $0x3;
	s9 =	sadd.s32 $0x4000, s8  }
0x11: {  	s10 =	sadd.s32 $0x8000, s8;
	s11 =	sadd.s32 $0xC000, s8;
	s0 =	sadd.s32 s26, s0  }
0x12: {  	v0 =	vimm.f32 $0.0e+00;
	s12 =	sadd.s32 $0x10000, s8;
	s14 =	sadd.s32 $0x3EC00, s14;
	s15 =	sadd.s32 $0x8EC00, s0  }
.LBB2_1:
0x13: {  	s0 =	simm.s32 $0x0;
	s2 =	simm.s32 $0x200  }
.LBB2_2:
0x14: {  	p0 =	sne.s32 s2, $0xFE00;
	[tilespmem:s0+$0x7870] =	vst v0  }
0x15: {  	[tilespmem:s0+$0x7800] =	vst v0  }
0x16: {  	[tilespmem:s0+$0x7810] =	vst v0  }
.Ltmp0:
0x17: {  	[tilespmem:s0+$0x7820] =	vst v0;
	(pc) =	sbr.rel @p0 .LBB2_2-.Ltmp0, $4  }
0x18: {  	[tilespmem:s0+$0x7830] =	vst v0  }
0x19: {  	[tilespmem:s0+$0x7840] =	vst v0  }
0x1a: {  	[tilespmem:s0+$0x7850] =	vst v0  }
0x1b: {  	[tilespmem:s0+$0x7860] =	vst v0;
	s0 =	sshra.s32 s2, $0x2;
	s2 =	sadd.s32 $0x200, s2  }
0x1c: {  	[tilespmem:s0+$0x7870] =	vst v0  }
0x1d: {  	[tilespmem:s0+$0x7800] =	vst v0  }
0x1e: {  	[tilespmem:s0+$0x7810] =	vst v0  }
0x1f: {  	[tilespmem:s0+$0x7820] =	vst v0  }
0x20: {  	[tilespmem:s0+$0x7830] =	vst v0  }
0x21: {  	[tilespmem:s0+$0x7840] =	vst v0  }
0x22: {  	[tilespmem:s0+$0x7850] =	vst v0  }
0x23: {  	[tilespmem:s0+$0x7860] =	vst v0  }
0x24: {  	[spmem:s8] =	stream.linear.scatter [tilespmem:s18], [sflag:$0x2], $0x4000, $0x38;
	[tilespmem:$0x1F800] =	vst v63  }
0x25: {  	_ =	swait.ge [sflag:s19], $0x4000  }
0x26: {  	[sflag:s19] =	ssyncset.done $0x0  }
0x27: {  	[sflag:s19] =	ssyncadd.s32 $0xFFFFC000  }
0x28: {  	[spmem:s9] =	stream.linear.scatter [tilespmem:s18], [sflag:$0x2], $0x4000, $0x38;
	[tilespmem:$0x1F800] =	vst v63  }
0x29: {  	_ =	swait.ge [sflag:s19], $0x4000  }
0x2a: {  	[sflag:s19] =	ssyncset.done $0x0  }
0x2b: {  	[sflag:s19] =	ssyncadd.s32 $0xFFFFC000  }
0x2c: {  	[spmem:s10] =	stream.linear.scatter [tilespmem:s18], [sflag:$0x2], $0x4000, $0x38;
	[tilespmem:$0x1F800] =	vst v63  }
0x2d: {  	_ =	swait.ge [sflag:s19], $0x4000  }
0x2e: {  	[sflag:s19] =	ssyncset.done $0x0  }
0x2f: {  	[sflag:s19] =	ssyncadd.s32 $0xFFFFC000  }
0x30: {  	[spmem:s11] =	stream.linear.scatter [tilespmem:s18], [sflag:$0x2], $0x4000, $0x38;
	[tilespmem:$0x1F800] =	vst v63  }
0x31: {  	_ =	swait.ge [sflag:s19], $0x4000  }
0x32: {  	[sflag:s19] =	ssyncset.done $0x0  }
0x33: {  	[sflag:s19] =	ssyncadd.s32 $0xFFFFC000  }
0x34: {  	[spmem:s12] =	stream.linear.scatter [tilespmem:s18], [sflag:$0x2], $0x4000, $0x38;
	[tilespmem:$0x1F800] =	vst v63  }
0x35: {  	_ =	swait.ge [sflag:s19], $0x4000  }
0x36: {  	[sflag:s19] =	ssyncset.done $0x0  }
0x37: {  	s0 =	simm.s32 $0x40;
	s2 =	simm.s32 $0x0;
	[sflag:s19] =	ssyncadd.s32 $0xFFFFC000  }
.LBB2_4:
0x38: {  	p0 =	sne.s32 s0, $0x9FC0;
	[tilespmem:s2+$0x4E80] =	vst v0;
	s2 =	smov.u32 s0;
	s0 =	sadd.s32 $0x40, s0  }
.Ltmp1:
0x39: {  	(pc) =	sbr.rel @p0 .LBB2_4-.Ltmp1, $2  }
0x3a: {  	_ =	sdelay $0x2  }
0x3b: {  	s2 =	sshra.s32 s2, $0x2  }
0x3c: {  	[tilespmem:s2+$0x4E80] =	vst v0;
	s0 =	rddreg [dreg:$0x1]  }
0x3d: {  	[tilespmem:s28], [sflag:$0x2] =	stream.linear.gather [hbm4b:s0+s28], $0x4E80, $0x38;
	[tilespmem:$0x1F800] =	vst v63  }
0x3e: {  	_ =	swait.ge [sflag:s19], $0x4E80  }
0x3f: {  	[sflag:s19] =	ssyncset.done $0x0  }
0x40: {  	[sflag:s19] =	ssyncadd.s32 $0xFFFFB180  }
0x41: {  	s29 =	smov.u32 s17;
	s30 =	simm.s32 $0x0;
	[bflag:$0x0] =	sbarrier.arrive $0xFFFF  }
.LBB2_6:
0x42: {  	s0 =	sshll.u32 s30, $0x7  }
0x43: {  	s0 =	sadd.s32 s13, s0  }
0x44: {  	s0 =	sshrl.u32 s0, $0x3  }
0x45: {  	s2 =	sadd.s32 s6, s0  }
0x46: {  	[tilespmem:s20], [sflag:$0x2] =	stream.linear.gather [hbm4b:s2+s28], $0x80, $0x38;
	[tilespmem:$0x1F800] =	vst v63  }
0x47: {  	_ =	swait.ge [sflag:s19], $0x80  }
0x48: {  	[sflag:s19] =	ssyncset.done $0x0  }
0x49: {  	s0 =	sadd.s32 s7, s0;
	[sflag:s19] =	ssyncadd.s32 $0xFFFFFF80  }
0x4a: {  	[tilespmem:s21], [sflag:$0x2] =	stream.linear.gather [hbm4b:s0+s28], $0x80, $0x38;
	[tilespmem:$0x1F800] =	vst v63  }
0x4b: {  	_ =	swait.ge [sflag:s19], $0x80  }
0x4c: {  	[sflag:s19] =	ssyncset.done $0x0  }
0x4d: {  	[sflag:s19] =	ssyncadd.s32 $0xFFFFFF80  }
0x4e: {  	[tilespmem:s18], [sflag:$0x1] =	stream.indirect.gather [hbm4b:s5+s22], $0x80, s20, s22, $0xb8;
	[tilespmem:$0x1F800] =	vst v63  }
0x4f: {  	_ =	swait.ge [sflag:s23], $0x4000  }
0x50: {  	[sflag:s23] =	ssyncset.done $0x0  }
0x51: {  	s2 =	simm.s32 $0x0;
	s0 =	smov.u32 s29;
	[sflag:s23] =	ssyncadd.s32 $0xFFFFC000  }
.LBB2_7:
0x52: {  	s26 =	sshra.s32 s2, $0x2  }
0x53: {  	v1 =	vld [tilespmem:s26+$0x7680]  }
0x54: {  	v2 =	vld [tilespmem:s26+$0x7700];
	_ =	sdelay $0x4  }
0x55: {  	v1 =	vshll.u32 v1, $0x1;
	v3 =	vshll.u32 v2, $0x1  }
0x56: {  	v3 =	vor.u32 $0x1, v3;
	_ =	sdelay $0x2  }
0x57: {  	s31 =	simm.s32 $0x0  }
0x58: {  	v1 =	vld.idx.msk [tilespmem:v1+s31+$0x0], $0xffff  }
0x59: {  	v3 =	vld.idx.msk [tilespmem:v3+s31+$0x0], $0xffff;
	_ =	sdelay $0x4  }
0x5a: {  	v1 =	vadd.f32 v3, v1;
	_ =	sdelay $0x1  }
0x5b: {  	v3 =	vmul.f32 $2.000000030e-01, v1  }
0x5c: {  	vm0 =	vgt.f32 v1, $0.0e+00  }
0x5d: {  	v1 =	vsel vm0, v1, v3  }
0x5e: {  	v1 =	vmul.f32 $1.442695020e+00, v1;
	_ =	sdelay $0x1  }
0x5f: {  	(erf) = vpow2.f32 v1;
	_ =	sdelay $0x8  }
0x60: {  	p0 =	slt.u32 s0, $0x50910;
	v1 =	vpop (erf)  }
0x61: {  	v1 =	vpsel !p0, $0x0, v1;
	p0 =	sne.s32 s2, $0x1C0  }
.Ltmp2:
0x62: {  	_ = 	snop;
	(pc) =	sbr.rel @p0 .LBB2_7-.Ltmp2, $3  }
0x63: {  	_ =	sdelay $0x1  }
0x64: {  	[tilespmem:s26+$0x7780] =	vst v1  }
0x65: {  	s0 =	sadd.s32 $0x10, s0;
	s2 =	sadd.s32 $0x40, s2;
	[tilespmem:v2+s24+$0x0] =	vst.idx.add.f32.msk $0xffff, v1  }
0x66: {  	v1 =	vmov s31  }
0x67: {  	s31 =	simm.s32 $0x7840  }
0x68: {  	v5 =	vld [tilespmem:s31+$0x30]  }
0x69: {  	v8 =	vld [tilespmem:s31+$0x10]  }
0x6a: {  	v6 =	vld [tilespmem:s31+$0xFFFFFFC0]  }
0x6b: {  	v2 =	vld.idx.msk [tilespmem:v1+s25+$0x0], $0xffff  }
0x6c: {  	v10 =	vld [tilespmem:s31+$0xFFFFFFE0]  }
0x6d: {  	v3 =	vld [tilespmem:s31+$0x20]  }
0x6e: {  	v4 =	vld [tilespmem:s31+$0xFFFFFFD0]  }
0x6f: {  	v1 =	vld [tilespmem:s31+$0xFFFFFFF0]  }
0x70: {  	v9 =	vmul.f32 v5, v2;
	v5 =	vld [tilespmem:s31+$0x0]  }
0x71: {  	v7 =	vmul.f32 v6, v2  }
0x72: {  	s0 =	simm.s32 $0x1;
	s2 =	simm.s32 $0x7840;
	v6 =	vmul.f32 v10, v2;
	v8 =	vmul.f32 v8, v2  }
.LBB2_9:
0x73: {  	p0 =	sne.s32 s0, $0x7F  }
0x74: {  	v4 =	vmul.f32 v4, v2;
	v3 =	vmul.f32 v3, v2;
	[tilespmem:s31+$0x30] =	vst v9;
	s2 =	sadd.s32 $0x80, s2;
	s26 =	smov.u32 s0;
	s0 =	sadd.s32 $0x1, s0  }
0x75: {  	[tilespmem:s31+$0xFFFFFFC0] =	vst v7;
	v7 =	vmul.f32 v1, v2;
	v2 =	vmul.f32 v5, v2  }
0x76: {  	[tilespmem:s31+$0x10] =	vst v8  }
0x77: {  	v5 =	vmov s26;
	[tilespmem:s31+$0xFFFFFFE0] =	vst v6  }
0x78: {  	v1 =	vld [tilespmem:s2+$0xFFFFFFF0];
	[tilespmem:s31+$0xFFFFFFF0] =	vst v7  }
0x79: {  	v6 =	vld [tilespmem:s2+$0x30];
	[tilespmem:s31+$0x0] =	vst v2  }
0x7a: {  	v8 =	vld [tilespmem:s2+$0x10];
	[tilespmem:s31+$0x20] =	vst v3  }
0x7b: {  	v7 =	vld [tilespmem:s2+$0xFFFFFFC0];
	[tilespmem:s31+$0xFFFFFFD0] =	vst v4;
	s31 =	smov.u32 s2  }
0x7c: {  	v2 =	vld.idx.msk [tilespmem:v5+s25+$0x0], $0xffff  }
0x7d: {  	v10 =	vld [tilespmem:s2+$0xFFFFFFE0]  }
0x7e: {  	v3 =	vld [tilespmem:s2+$0x20]  }
.Ltmp3:
0x7f: {  	v4 =	vld [tilespmem:s2+$0xFFFFFFD0];
	(pc) =	sbr.rel @p0 .LBB2_9-.Ltmp3, $3  }
0x80: {  	v5 =	vld [tilespmem:s2+$0x0];
	_ =	sdelay $0x1  }
0x81: {  	v7 =	vmul.f32 v7, v2;
	v9 =	vmul.f32 v6, v2  }
0x82: {  	v8 =	vmul.f32 v8, v2;
	v6 =	vmul.f32 v10, v2  }
0x83: {  	[tilespmem:s31+$0x30] =	vst v9  }
0x84: {  	[tilespmem:s31+$0xFFFFFFC0] =	vst v7  }
0x85: {  	v1 =	vmul.f32 v1, v2;
	[tilespmem:s31+$0x10] =	vst v8  }
0x86: {  	v3 =	vmul.f32 v3, v2;
	[tilespmem:s31+$0xFFFFFFE0] =	vst v6  }
0x87: {  	v5 =	vmul.f32 v5, v2;
	[tilespmem:s31+$0xFFFFFFF0] =	vst v1  }
0x88: {  	s30 =	sadd.s32 $0x1, s30;
	v1 =	vmul.f32 v4, v2;
	[tilespmem:s31+$0x20] =	vst v3  }
0x89: {  	p0 =	sne.s32 s30, $0x51;
	[tilespmem:s31+$0x0] =	vst v5  }
.Ltmp4:
0x8a: {  	[tilespmem:s31+$0xFFFFFFD0] =	vst v1;
	(pc) =	sbr.rel @p0 .LBB2_6-.Ltmp4, $4  }
0x8b: {  	[spmem:s3] =	stream.indirect.scatter.add.f32 [tilespmem:s18], [sflag:$0x2], $0x80, s21, s22, $0xb8;
	[tilespmem:$0x1F800] =	vst v63  }
0x8c: {  	_ =	swait.ge [sflag:s19], $0x4000  }
0x8d: {  	[sflag:s19] =	ssyncset.done $0x0  }
0x8e: {  	s29 =	sadd.s32 $0x80, s29;
	[sflag:s19] =	ssyncadd.s32 $0xFFFFC000  }
0x8f: {  	s0 =	sshll.u32 s1, $0x6  }
0x90: {  	[bflag:$0x0] =	sbarrier.arrive $0xFFFF;
	s2 =	sshrl.u32 s8, $0x3;
	s0 =	sor.u32 $0x1C02, s0  }
0x91: {  	[hbm:s14], [sflag:s0] =	dma.local [spmem:s2], $0x2800  }
0x92: {  	s4 =	sadd.s32 $0x1, s4;
	_ =	swait.ge [sflag:s19], $0x2800  }
0x93: {  	p0 =	sne.s32 s4, s16;
	[sflag:s19] =	ssyncset.done $0x0  }
.Ltmp5:
0x94: {  	s31 =	simm.s32 $0x400;
	[sflag:s19] =	ssyncadd.s32 $0xFFFFD800;
	(pc) =	sbr.rel @p0 .LBB2_1-.Ltmp5, $4  }
0x95: {  	[hbm4b:s15+s22] =	stream.strided.scatter [tilespmem:s24], [sflag:$0x2], $0x2800, s31, s22, $0x38;
	[tilespmem:$0x1F800] =	vst v63  }
0x96: {  	_ =	swait.ge [sflag:s19], $0x2800  }
0x97: {  	[sflag:s19] =	ssyncset.done $0x0  }
0x98: {  	[sflag:s19] =	ssyncadd.s32 $0xFFFFD800  }
0x99: {  	_ =	sfence.sel $0x180000  }
0x9a: {  	[bflag:$0x0] =	sbarrier.arrive $0xFFFF  }
0x9b: {  	_ =	strace $0x9000004A  }
0x9c: {  	[bflag:$0x2] =	sbarrier.arrive $0xFFFF  }
0x9d: {  	p0 =	sne.s32 s1, $0x0;
	s0 =	rddreg [dreg:$0x3]  }
0x9e: {  	s0 =	sadd.s32 @!p0 $0x100000, s0  }
0x9f: {  	[sflag:s0] =	ssyncadd.tile.s32 @!p0 $0x1;
	_ =	shalt  }
.Lfunc_end2:
_tile_overlayer_lowered:
.L_overlay_start_2:
0xa0: {  	(tag) =	ssettag $0x2  }
0xa1: {  	s0 =	rddreg [dreg:$0x0];
	s2 =	stileid.u32  }
0xa2: {  	s1 =	rddreg [dreg:$0x1];
	p0 =	sne.s32 s2, $0x0  }
0xa3: {  	s3 =	rddreg [dreg:$0x2];
	[bflag:$0x3] =	sbarrier.arrive $0xFFFF;
	s2 =	simm.s32 @!p0 $0x1C02  }
0xa4: {  	[timem:s3], [sflag:s2] =	dma.local @!p0 [hbm:s0], s1  }
0xa5: {  	s0 =	simm.s32 @!p0 $0x2  }
0xa6: {  	_ =	swait.ge @!p0 [sflag:s0], s1  }
0xa7: {  	s1 =	ssub.s32 @!p0 $0x0, s1;
	[sflag:s0] =	ssyncset.done @!p0 $0x0  }
0xa8: {  	[sflag:s0] =	ssyncadd.s32 @!p0 s1  }
0xa9: {  	[bflag:$0x3] =	sbarrier.arrive $0xFFFF  }
0xaa: {  	_ =	shalt  }

// kernel: kernel.14.cloned.1.call-start
scs
__scs_entry_jumppad:
0x0: {  	(pc) =	sbr.rel $0x88, $3  }
0x1: {  	(tag) =	ssettag $0x0;
	lr =	simm.s32 $0x1  }
0x2: {  	[smem:$0x3F94] =	sst lr;
	_ =	strace $0xD0000000  }
0x3: {  	_ = 	snop  }
0x4: {  	_ = 	snop  }
0x5: {  	_ = 	snop  }
0x6: {  	_ = 	snop  }
0x7: {  	_ = 	snop  }
__scs_overlays_trampoline_lowered:
0x8: {  	[smem:$0x3FA3] =	sst s0  }
0x9: {  	[smem:$0x3FA4] =	sst s1  }
0xa: {  	[smem:$0x3FA5] =	sst s2  }
0xb: {  	[smem:$0x3FA6] =	sst s3  }
0xc: {  	[smem:$0x3FA7] =	sst s4  }
0xd: {  	[smem:$0x3FA8] =	sst s5  }
0xe: {  	[smem:$0x3FA9] =	sst s6  }
0xf: {  	[smem:$0x3FAA] =	sst s7  }
0x10: {  	[smem:$0x3FAB] =	sst s8  }
0x11: {  	[smem:$0x3FAC] =	sst s9;
	s0 =	simm.s32 @!p0 $0x0  }
0x12: {  	s1 =	sld [smem:$0x3F92];
	s0 =	simm.s32 @p0 $0x1  }
0x13: {  	[smem:$0x3FAD] =	sst s0;
	s0 =	simm.s32 @!p1 $0x0  }
0x14: {  	s2 =	sld [smem:$0x3F91];
	s0 =	simm.s32 @p1 $0x1  }
0x15: {  	[smem:$0x3FAE] =	sst s0;
	s0 =	simm.s32 @!p2 $0x0  }
0x16: {  	s3 =	sld [smem:$0x3FDB];
	s0 =	simm.s32 @p2 $0x1  }
0x17: {  	s4 =	simm.s32 $0x1BF5;
	[smem:$0x3FB0] =	sst s0  }
0x18: {  	s0 =	sld [smem:$0x3F93];
	_ =	swait.ge [sflag:s4], $0x0  }
0x19: {  	s7 =	sld [smem:$0x3F94]  }
0x1a: {  	s8 =	sadd.s32 $0xFFFFE003, lr  }
0x1b: {  	s9 =	sadd.s32 $0xFFFFFEF7, lr;
	s5 =	simm.s32 $0xFFFFFFFF;
	p2 =	slt.u32 s8, $0xFFFFF086  }
0x1c: {  	p1 =	slt.u32 s9, $0xF7A;
	s5 =	simm.s32 @!p2 $0x0  }
0x1d: {  	s5 =	simm.s32 @p1 $0x1;
	p0 =	seq.s32 s7, s2  }
0x1e: {  	s7 =	smul.u32 @!p0 $0xF7A, s2;
	p2 =	seq.s32 @!p0 s5, $0x0  }
0x1f: {  	s9 =	smul.u32 $0xF7A, s1;
	s8 =	simm.s32 @!p0 $0x1BF5;
	p2 =	por !p2, p0  }
0x20: {  	[sflag:s8] =	ssyncset.s32 @!p0 $0xFFFFF086;
	s6 =	sadd.s32 @!p0 s3, s7;
	s7 =	simm.s32 @!p0 $0x108  }
0x21: {  	s3 =	sadd.s32 s3, s9;
	s6 =	sadd.s32 @!p0 $0x88, s6;
	s7 =	simm.s32 @p2 $0x1082  }
0x22: {  	[simem:s7], [sflag:s8] =	dma.local @!p0 [hbm:s6], $0xF7A  }
0x23: {  	s9 =	sor.u32 $0xD0000000, s2;
	s6 =	simm.s32 $0x108;
	_ =	swait.ge @!p0 [sflag:s8], $0x0  }
0x24: {  	s3 =	sadd.s32 $0x88, s3;
	s6 =	simm.s32 @!p1 $0x1082;
	[sflag:s4] =	ssyncset.s32 $0xFFFFF086  }
0x25: {  	[simem:s6], [sflag:s4] =	dma.local [hbm:s3], $0xF7A  }
0x26: {  	[smem:$0x3F94] =	sst s1;
	(tag) =	ssettag s2;
	_ =	strace s9  }
0x27: {  	s1 =	sld [smem:$0x3FA4]  }
0x28: {  	s2 =	sld [smem:$0x3FA5]  }
0x29: {  	s4 =	sld [smem:$0x3FA7]  }
0x2a: {  	p0 =	seq.s32 s5, $0x0;
	s5 =	sld [smem:$0x3FA8]  }
0x2b: {  	s6 =	sld [smem:$0x3FA9]  }
0x2c: {  	s7 =	sld [smem:$0x3FAA]  }
0x2d: {  	s3 =	simm.s32 $0x108;
	s8 =	sld [smem:$0x3FAB]  }
0x2e: {  	s3 =	simm.s32 @!p0 $0x1082;
	s9 =	sld [smem:$0x3FAC]  }
0x2f: {  	lr =	sadd.s32 s0, s3;
	s0 =	sld [smem:$0x3FA3]  }
0x30: {  	s3 =	sld [smem:$0x3FA6]  }
0x31: {  	[smem:$0x3FAF] =	sst s10  }
0x32: {  	s10 =	sld [smem:$0x3FAD];
	_ =	sdelay $0x3  }
0x33: {  	p0 =	seq.s32 s10, $0x1;
	s10 =	sld [smem:$0x3FAF];
	_ =	sdelay $0x3  }
0x34: {  	[smem:$0x3FAF] =	sst s10  }
0x35: {  	s10 =	sld [smem:$0x3FAE];
	_ =	sdelay $0x3  }
0x36: {  	p1 =	seq.s32 s10, $0x1;
	s10 =	sld [smem:$0x3FAF];
	_ =	sdelay $0x3  }
0x37: {  	[smem:$0x3FAF] =	sst s10  }
0x38: {  	s10 =	sld [smem:$0x3FB0]  }
0x39: {  	_ = 	snop;
	(pc) =	sbr.ind lr, $3  }
0x3a: {  	_ = 	snop  }
0x3b: {  	_ = 	snop  }
0x3c: {  	p2 =	seq.s32 s10, $0x1;
	s10 =	sld [smem:$0x3FAF]  }
0x3d: {  	_ =	shalt  }
0x3e: {  	_ =	shalt  }
0x3f: {  	_ =	shalt  }
0x40: {  	_ =	shalt  }
0x41: {  	_ =	shalt  }
0x42: {  	_ =	shalt  }
0x43: {  	_ =	shalt  }
0x44: {  	_ =	shalt  }
0x45: {  	_ =	shalt  }
0x46: {  	_ =	shalt  }
0x47: {  	_ =	shalt  }
0x48: {  	_ =	shalt  }
0x49: {  	_ =	shalt  }
0x4a: {  	_ =	shalt  }
0x4b: {  	_ =	shalt  }
0x4c: {  	_ =	shalt  }
0x4d: {  	_ =	shalt  }
0x4e: {  	_ =	shalt  }
0x4f: {  	_ =	shalt  }
0x50: {  	_ =	shalt  }
0x51: {  	_ =	shalt  }
0x52: {  	_ =	shalt  }
0x53: {  	_ =	shalt  }
0x54: {  	_ =	shalt  }
0x55: {  	_ =	shalt  }
0x56: {  	_ =	shalt  }
0x57: {  	_ =	shalt  }
0x58: {  	_ =	shalt  }
0x59: {  	_ =	shalt  }
0x5a: {  	_ =	shalt  }
0x5b: {  	_ =	shalt  }
0x5c: {  	_ =	shalt  }
0x5d: {  	_ =	shalt  }
0x5e: {  	_ =	shalt  }
0x5f: {  	_ =	shalt  }
0x60: {  	_ =	shalt  }
0x61: {  	_ =	shalt  }
0x62: {  	_ =	shalt  }
0x63: {  	_ =	shalt  }
0x64: {  	_ =	shalt  }
0x65: {  	_ =	shalt  }
0x66: {  	_ =	shalt  }
0x67: {  	_ =	shalt  }
0x68: {  	_ =	shalt  }
0x69: {  	_ =	shalt  }
0x6a: {  	_ =	shalt  }
0x6b: {  	_ =	shalt  }
0x6c: {  	_ =	shalt  }
0x6d: {  	_ =	shalt  }
0x6e: {  	_ =	shalt  }
0x6f: {  	_ =	shalt  }
0x70: {  	_ =	shalt  }
0x71: {  	_ =	shalt  }
0x72: {  	_ =	shalt  }
0x73: {  	_ =	shalt  }
0x74: {  	_ =	shalt  }
0x75: {  	_ =	shalt  }
0x76: {  	_ =	shalt  }
0x77: {  	_ =	shalt  }
0x78: {  	_ =	shalt  }
0x79: {  	_ =	shalt  }
0x7a: {  	_ =	shalt  }
0x7b: {  	_ =	shalt  }
0x7c: {  	_ =	shalt  }
0x7d: {  	_ =	shalt  }
0x7e: {  	_ =	shalt  }
0x7f: {  	_ =	shalt  }
0x80: {  	_ =	shalt  }
0x81: {  	_ =	shalt  }
0x82: {  	_ =	shalt  }
0x83: {  	_ =	shalt  }
0x84: {  	_ =	shalt  }
0x85: {  	_ =	shalt  }
0x86: {  	_ =	shalt  }
0x87: {  	_ =	shalt  }
.Lfunc_end0:
.L_simem_size_0:
called_computation.2_lowered:
.L_overlay_start_0:
0x88: {  	s2 =	sld [smem:$0x3FD9]  }
0x89: {  	s3 =	sld [smem:$0x3FFE];
	_ =	sdelay $0x1  }
0x8a: {  	s1 =	srdreg.scid  }
0x8b: {  	s0 =	sand.u32 $0x1, s1  }
0x8c: {  	s16 =	sshll.u32 s0, $0xA;
	s2 =	sadd.s32 s3, s2  }
0x8d: {  	s2 =	sadd.s32 s2, s16  }
0x8e: {  	[smem:$0x3FBB] =	sst s2  }
0x8f: {  	_ = 	snop  }
0x90: {  	(tm) =	ssettm $0x1  }
0x91: {  	s17 =	sld [smem:$0x3FFB];
	_ =	sdelay $0x3  }
0x92: {  	_ =	strace s17  }
0x93: {  	s2 =	sld [smem:$0x3FFC];
	_ =	sdelay $0x3  }
0x94: {  	_ =	strace s2  }
0x95: {  	s2 =	sld [smem:$0x3FFD];
	_ =	sdelay $0x3  }
0x96: {  	_ =	strace s2  }
0x97: {  	_ =	strace $0x8FFFFFFF  }
0x98: {  	s18 =	sld [smem:$0x3FDB];
	_ =	sdelay $0x1  }
0x99: {  	s19 =	simm.s32 $_scs_section_size  }
0x9a: {  	s4 =	simm.s32 $_size__tile_overlayer_lowered;
	s5 =	simm.s32 $_tile_overlayer_lowered  }
0x9b: {  	s22 =	simm.s32 $0x1BFF;
	s21 =	sshll.u32 s5, $0x1;
	s2 =	sadd.s32 s19, s18  }
0x9c: {  	s6 =	simm.s32 $0x0;
	s20 =	sshll.u32 s4, $0x1;
	s4 =	sadd.s32 s21, s2  }
0x9d: {  	[timem:s6], [sflag:s22] =	dma.local [hbm:s4], s20  }
0x9e: {  	_ =	swait.ge [sflag:s22], s20  }
0x9f: {  	s3 =	ssub.s32 $0x0, s20;
	[sflag:s22] =	ssyncset.done $0x0  }
0xa0: {  	[sflag:s22] =	ssyncadd.s32 s3;
	_ =	sdelay $0x1  }
0xa1: {  	s23 =	simm.s32 $0x1B8B  }
0xa2: {  	_ =	swait.ge [sflag:s23], $0x1  }
0xa3: {  	[sflag:s23] =	ssyncset.done $0x0  }
0xa4: {  	s25 =	simm.s32 $0x1B8E;
	s24 =	sld [smem:$0x3FFE];
	[sflag:s23] =	ssyncadd.s32 $0xFFFFFFFF  }
0xa5: {  	s26 =	simm.s32 $execute0_lowered;
	[smem:$0x3FD2] =	sst s25  }
0xa6: {  	s4 =	sshll.u32 s26, $0x1;
	_ =	strace $0x8000004C;
	[dreg:$0x1] =	wrdreg $0xFFFFFFFF  }
0xa7: {  	s28 =	simm.s32 $_size_execute0_lowered;
	s2 =	sadd.s32 s2, s4;
	[dreg:$0x0] =	wrdreg $0x0  }
0xa8: {  	s4 =	sshll.u32 s28, $0x1;
	[dreg:$0x2] =	wrdreg s2  }
0xa9: {  	[dreg:$0x3] =	wrdreg s4  }
0xaa: {  	[dreg:$0x4] =	wrdreg $0xC0  }
0xab: {  	_ =	task [dreg:s6], $0x5FFFF  }
0xac: {  	[dreg:$0x1] =	wrdreg $0xFFFFFFFF  }
0xad: {  	[dreg:$0x0] =	wrdreg $0x60  }
0xae: {  	[dreg:$0x2] =	wrdreg s24  }
0xaf: {  	[dreg:$0x3] =	wrdreg $0x9  }
0xb0: {  	_ =	task.clear_ibuf [dreg:s6], $0x4FFFF;
	_ =	strace $0x9000004C  }
0xb1: {  	s29 =	simm.s32 $0x9;
	_ =	strace $0x8000004E  }
0xb2: {  	_ =	swait.ge [sflag:s29], $0x1  }
0xb3: {  	[sflag:s29] =	ssyncadd.s32 $0xFFFFFFFF  }
0xb4: {  	_ =	strace $0x9000004E  }
0xb5: {  	_ =	sfence  }
0xb6: {  	s30 =	sld [smem:$0x0];
	_ =	sdelay $0x2  }
0xb7: {  	s31 =	sshll.u32 s1, $0xD;
	s1 =	sshrl.u32 s1, $0x2  }
0xb8: {  	s3 =	sand.u32 $0x4000, s31;
	s1 =	sadd.s32 s1, s30  }
0xb9: {  	s0 =	sor.u32 s3, s0;
	s1 =	sshll.u32 s1, $0x11  }
0xba: {  	s0 =	sor.u32 s1, s0  }
0xbb: {  	s0 =	sadd.s32 $0x8F2B, s0  }
0xbc: {  	[sflag:s0] =	ssyncadd.remote.s32 $0x1  }
0xbd: {  	_ =	sfence.sel $0xFFFF  }
0xbe: {  	[dreg:$0x0] =	wrdreg $0xFFFFFFFF;
	(pc) =	sbr.abs _section_cstart, $3  }
0xbf: {  	[dreg:$0x1] =	wrdreg $0xFFFFFFFF  }
0xc0: {  	_ =	task.clear_ibuf [dreg:s6], $0x2FFFF;
	_ =	strace $0x9FFFFFFF  }
0xc1: {  	(tm) =	ssettm $0x7FFFFFFF  }
tec
execute0_lowered:
.L_overlay_start_1:
0x0: {  	(tag) =	ssettag $0x1  }
0x1: {  	s6 =	rddreg [dreg:$0x0]  }
0x2: {  	s0 =	rddreg [dreg:$0x1]  }
0x3: {  	s1 =	simm.s32 $0x0;
	s3 =	srdreg.scid;
	s10 =	simm.s32 $0x80  }
0x4: {  	s11 =	simm.s32 $0x100;
	s12 =	simm.s32 $0x1;
	s13 =	simm.s32 $0x4100  }
0x5: {  	s14 =	simm.s32 $0x8100;
	s15 =	simm.s32 $0x0;
	[smem:$0x7FF] =	sst s1  }
0x6: {  	s2 =	sadd.s32 $0x3600, s6;
	s7 =	sand.u32 $0x1, s3;
	s4 =	sadd.s32 $0x98C00, s6  }
0x7: {  	s5 =	sadd.s32 $0xA2A00, s6;
	s3 =	stileid.u32;
	s8 =	ssub.s32 $0x2, s7  }
0x8: {  	s6 =	sadd.s32 $0x2A800, s6;
	s7 =	sshll.u32 s7, $0x4;
	s9 =	sshrl.u32 s8, $0x1  }
0x9: {  	_ =	strace $0x8000004D;
	s7 =	sor.u32 s3, s7;
	s8 =	ssub.s32 s8, s9  }
0xa: {  	s7 =	smul.u32 $0x4F, s7;
	s9 =	simm.s32 $0x2;
	s8 =	smax.u32 s8, $0x1  }
.LBB2_1:
0xb: {  	s16 =	simm.s32 $0x0  }
.LBB2_2:
0xc: {  	s17 =	sadd.s32 s7, s16  }
0xd: {  	s17 =	sshll.u32 s17, $0x4  }
0xe: {  	s18 =	simm.s32 $0x0;
	s19 =	sadd.s32 s4, s17  }
0xf: {  	[tilespmem:s18], [sflag:$0x2] =	stream.linear.gather [hbm4b:s19+s18], $0x80, $0x38;
	[tilespmem:$0x8180] =	vst v63  }
0x10: {  	_ =	swait.ge [sflag:s9], $0x80  }
0x11: {  	[sflag:s9] =	ssyncset.done $0x0  }
0x12: {  	s31 =	sadd.s32 s5, s17;
	[sflag:s9] =	ssyncadd.s32 $0xFFFFFF80  }
0x13: {  	[tilespmem:s10], [sflag:$0x2] =	stream.linear.gather [hbm4b:s31+s18], $0x80, $0x38;
	[tilespmem:$0x8180] =	vst v63  }
0x14: {  	_ =	swait.ge [sflag:s9], $0x80  }
0x15: {  	[sflag:s9] =	ssyncset.done $0x0  }
0x16: {  	[sflag:s9] =	ssyncadd.s32 $0xFFFFFF80  }
0x17: {  	[tilespmem:s11], [sflag:$0x1] =	stream.indirect.gather [hbm4b:s2+s10], $0x80, s18, s10, $0xb8;
	[tilespmem:$0x8180] =	vst v63  }
0x18: {  	_ =	swait.ge [sflag:s12], $0x4000  }
0x19: {  	[sflag:s12] =	ssyncset.done $0x0  }
0x1a: {  	[sflag:s12] =	ssyncadd.s32 $0xFFFFC000  }
0x1b: {  	[tilespmem:s13], [sflag:$0x1] =	stream.indirect.gather [hbm4b:s2+s10], $0x80, s10, s10, $0xb8;
	[tilespmem:$0x8180] =	vst v63  }
0x1c: {  	_ =	swait.ge [sflag:s12], $0x4000  }
0x1d: {  	[sflag:s12] =	ssyncset.done $0x0  }
0x1e: {  	s19 =	simm.s32 $0x4140;
	[sflag:s12] =	ssyncadd.s32 $0xFFFFC000  }
0x1f: {  	s20 =	simm.s32 $0x140;
	v0 =	vld [tilespmem:s19+$0xFFFFFFC0]  }
0x20: {  	v1 =	vld [tilespmem:s20+$0xFFFFFFC0]  }
0x21: {  	v2 =	vld [tilespmem:s20+$0xFFFFFFD0]  }
0x22: {  	s21 =	simm.s32 $0x1;
	v3 =	vld [tilespmem:s19+$0xFFFFFFD0]  }
.LBB2_3:
0x23: {  	p0 =	sne.s32 s21, $0x7F;
	v4 =	vld [tilespmem:s20+$0xFFFFFFE0]  }
0x24: {  	v5 =	vld [tilespmem:s19+$0xFFFFFFE0]  }
0x25: {  	v6 =	vld [tilespmem:s20+$0xFFFFFFF0]  }
0x26: {  	v7 =	vld [tilespmem:s19+$0xFFFFFFF0]  }
0x27: {  	v0 =	vmul.f32 v0, v1;
	v1 =	vmul.f32 v3, v2;
	v2 =	vld [tilespmem:s20+$0x0]  }
0x28: {  	v3 =	vld [tilespmem:s19+$0x0]  }
0x29: {  	v0 =	vadd.f32 v1, v0;
	v1 =	vmul.f32 v5, v4;
	v4 =	vld [tilespmem:s20+$0x10]  }
0x2a: {  	v5 =	vld [tilespmem:s19+$0x10]  }
0x2b: {  	v0 =	vadd.f32 v1, v0;
	v1 =	vmul.f32 v7, v6;
	v6 =	vld [tilespmem:s20+$0x20]  }
0x2c: {  	v7 =	vld [tilespmem:s19+$0x20]  }
0x2d: {  	v0 =	vadd.f32 v1, v0;
	v1 =	vmul.f32 v3, v2;
	v2 =	vld [tilespmem:s20+$0x30]  }
0x2e: {  	v3 =	vld [tilespmem:s19+$0x30]  }
0x2f: {  	v0 =	vadd.f32 v1, v0;
	v1 =	vmul.f32 v5, v4;
	_ =	sdelay $0x1  }
0x30: {  	v0 =	vadd.f32 v1, v0;
	v1 =	vmul.f32 v7, v6;
	_ =	sdelay $0x1  }
0x31: {  	v0 =	vadd.f32 v1, v0;
	v1 =	vmul.f32 v3, v2;
	_ =	sdelay $0x1  }
0x32: {  	v0 =	vadd.f32 v1, v0;
	_ =	sdelay $0x1  }
0x33: {  	(xrf2) =	vadd.scan.msk.f32 $0xffff, v0;
	_ =	sdelay $0x7  }
0x34: {  	v0 =	vmov s18;
	s18 =	smov.u32 s21;
	_ =	sdelay $0x1  }
0x35: {  	v1, _, _ =	vpop (xrf2)  }
0x36: {  	v1 =	vbroadcast v1, $0xF;
	_ =	sdelay $0x1  }
.Ltmp0:
0x37: {  	s19 =	sadd.s32 $0x80, s19;
	[tilespmem:v0+s14+$0x0] =	vst.idx.msk $0x1, v1;
	(pc) =	sbr.rel @p0 .LBB2_3-.Ltmp0, $4  }
0x38: {  	s20 =	sadd.s32 $0x80, s20;
	v0 =	vld [tilespmem:s19+$0xFFFFFFC0]  }
0x39: {  	v1 =	vld [tilespmem:s20+$0xFFFFFFC0]  }
0x3a: {  	v2 =	vld [tilespmem:s20+$0xFFFFFFD0]  }
0x3b: {  	s21 =	sadd.s32 $0x1, s21;
	v3 =	vld [tilespmem:s19+$0xFFFFFFD0]  }
0x3c: {  	v4 =	vld [tilespmem:s20+$0xFFFFFFE0]  }
0x3d: {  	v5 =	vld [tilespmem:s19+$0xFFFFFFE0]  }
0x3e: {  	v6 =	vld [tilespmem:s20+$0xFFFFFFF0]  }
0x3f: {  	v7 =	vld [tilespmem:s19+$0xFFFFFFF0]  }
0x40: {  	v31 =	vld [tilespmem:s20+$0x0];
	v0 =	vmul.f32 v0, v1;
	v30 =	vmul.f32 v3, v2  }
0x41: {  	v32 =	vld [tilespmem:s19+$0x0]  }
0x42: {  	v34 =	vld [tilespmem:s20+$0x10];
	v33 =	vmul.f32 v5, v4;
	v0 =	vadd.f32 v30, v0  }
0x43: {  	v35 =	vld [tilespmem:s19+$0x10]  }
0x44: {  	v37 =	vld [tilespmem:s20+$0x20];
	v36 =	vmul.f32 v7, v6;
	v0 =	vadd.f32 v33, v0  }
0x45: {  	v38 =	vld [tilespmem:s19+$0x20]  }
0x46: {  	v40 =	vld [tilespmem:s20+$0x30];
	v39 =	vmul.f32 v32, v31;
	v0 =	vadd.f32 v36, v0  }
0x47: {  	v41 =	vld [tilespmem:s19+$0x30]  }
0x48: {  	v42 =	vmul.f32 v35, v34;
	v0 =	vadd.f32 v39, v0;
	_ =	sdelay $0x1  }
0x49: {  	v43 =	vmul.f32 v38, v37;
	v0 =	vadd.f32 v42, v0;
	_ =	sdelay $0x1  }
0x4a: {  	v44 =	vmul.f32 v41, v40;
	v0 =	vadd.f32 v43, v0;
	_ =	sdelay $0x1  }
0x4b: {  	v0 =	vadd.f32 v44, v0;
	_ =	sdelay $0x1  }
0x4c: {  	(xrf2) =	vadd.scan.msk.f32 $0xffff, v0;
	_ =	sdelay $0x7  }
0x4d: {  	v45 =	vmov s18;
	_ =	sdelay $0x1  }
0x4e: {  	v46, _, _ =	vpop (xrf2)  }
0x4f: {  	v1 =	vbroadcast v46, $0xF;
	_ =	sdelay $0x1  }
0x50: {  	[tilespmem:v45+s14+$0x0] =	vst.idx.msk $0x1, v1  }
0x51: {  	v0 =	vld [tilespmem:$0x8100];
	_ =	sdelay $0x4  }
0x52: {  	v0 =	vsub.f32 $0.0e+00, v0;
	_ =	sdelay $0x1  }
0x53: {  	v0 =	vmul.f32 $1.442695020e+00, v0;
	_ =	sdelay $0x1  }
0x54: {  	(erf) = vpow2.f32 v0;
	_ =	sdelay $0x3  }
0x55: {  	v47 =	vld [tilespmem:$0x8110];
	_ =	sdelay $0x4  }
0x56: {  	v0 =	vsub.f32 $0.0e+00, v47;
	v48 =	vpop (erf)  }
0x57: {  	v1 =	vadd.f32 $1.000000000e+00, v48  }
0x58: {  	v0 =	vmul.f32 $1.442695020e+00, v0  }
0x59: {  	(erf) = vrcp.f32 v1  }
0x5a: {  	(erf) = vpow2.f32 v0;
	_ =	sdelay $0x3  }
0x5b: {  	v49 =	vld [tilespmem:$0x8120];
	_ =	sdelay $0x3  }
0x5c: {  	v1 =	vpop (erf)  }
0x5d: {  	v0 =	vsub.f32 $0.0e+00, v49;
	v50 =	vpop (erf)  }
0x5e: {  	v2 =	vadd.f32 $1.000000000e+00, v50  }
0x5f: {  	v0 =	vmul.f32 $1.442695020e+00, v0  }
0x60: {  	(erf) = vrcp.f32 v2  }
0x61: {  	(erf) = vpow2.f32 v0;
	_ =	sdelay $0x3  }
0x62: {  	v51 =	vld [tilespmem:$0x8130];
	_ =	sdelay $0x3  }
0x63: {  	v2 =	vpop (erf)  }
0x64: {  	v0 =	vsub.f32 $0.0e+00, v51;
	v52 =	vpop (erf)  }
0x65: {  	v3 =	vadd.f32 $1.000000000e+00, v52  }
0x66: {  	v0 =	vmul.f32 $1.442695020e+00, v0  }
0x67: {  	(erf) = vrcp.f32 v3  }
0x68: {  	(erf) = vpow2.f32 v0;
	_ =	sdelay $0x3  }
0x69: {  	v53 =	vld [tilespmem:$0x8140];
	_ =	sdelay $0x3  }
0x6a: {  	v3 =	vpop (erf)  }
0x6b: {  	v0 =	vsub.f32 $0.0e+00, v53;
	v54 =	vpop (erf)  }
0x6c: {  	v4 =	vadd.f32 $1.000000000e+00, v54  }
0x6d: {  	v0 =	vmul.f32 $1.442695020e+00, v0  }
0x6e: {  	(erf) = vrcp.f32 v4  }
0x6f: {  	(erf) = vpow2.f32 v0;
	_ =	sdelay $0x3  }
0x70: {  	v55 =	vld [tilespmem:$0x8150];
	_ =	sdelay $0x3  }
0x71: {  	v4 =	vpop (erf)  }
0x72: {  	v0 =	vsub.f32 $0.0e+00, v55;
	v56 =	vpop (erf)  }
0x73: {  	v5 =	vadd.f32 $1.000000000e+00, v56  }
0x74: {  	v0 =	vmul.f32 $1.442695020e+00, v0  }
0x75: {  	(erf) = vrcp.f32 v5  }
0x76: {  	(erf) = vpow2.f32 v0;
	_ =	sdelay $0x3  }
0x77: {  	v57 =	vld [tilespmem:$0x8160];
	_ =	sdelay $0x3  }
0x78: {  	v5 =	vpop (erf)  }
0x79: {  	v0 =	vsub.f32 $0.0e+00, v57;
	v58 =	vpop (erf)  }
0x7a: {  	v6 =	vadd.f32 $1.000000000e+00, v58  }
0x7b: {  	v0 =	vmul.f32 $1.442695020e+00, v0  }
0x7c: {  	(erf) = vrcp.f32 v6  }
0x7d: {  	(erf) = vpow2.f32 v0;
	_ =	sdelay $0x3  }
0x7e: {  	v59 =	vld [tilespmem:$0x8170];
	_ =	sdelay $0x3  }
0x7f: {  	v6 =	vpop (erf)  }
0x80: {  	v0 =	vsub.f32 $0.0e+00, v59;
	v60 =	vpop (erf)  }
0x81: {  	v7 =	vadd.f32 $1.000000000e+00, v60  }
0x82: {  	v0 =	vmul.f32 $1.442695020e+00, v0  }
0x83: {  	(erf) = vrcp.f32 v7  }
0x84: {  	(erf) = vpow2.f32 v0;
	_ =	sdelay $0x7  }
0x85: {  	v61 =	vpop (erf)  }
0x86: {  	v62 =	vpop (erf)  }
0x87: {  	v7 =	vadd.f32 $1.000000000e+00, v62;
	_ =	sdelay $0x1  }
0x88: {  	(erf) = vrcp.f32 v7;
	_ =	sdelay $0x2  }
0x89: {  	[tilespmem:$0x8100] =	vst v1  }
0x8a: {  	[tilespmem:$0x8110] =	vst v2  }
0x8b: {  	[tilespmem:$0x8120] =	vst v3  }
0x8c: {  	[tilespmem:$0x8130] =	vst v4  }
0x8d: {  	[tilespmem:$0x8140] =	vst v5  }
0x8e: {  	s16 =	sadd.s32 $0x1, s16;
	[tilespmem:$0x8150] =	vst v6  }
0x8f: {  	p0 =	sne.s32 s16, $0x4F;
	[tilespmem:$0x8160] =	vst v61;
	v63 =	vpop (erf)  }
.Ltmp1:
0x90: {  	s17 =	sadd.s32 s6, s17;
	[tilespmem:$0x8170] =	vst v63;
	(pc) =	sbr.rel @p0 .LBB2_2-.Ltmp1, $4  }
0x91: {  	[hbm4b:s17+s1] =	stream.linear.scatter [tilespmem:s14], [sflag:$0x2], $0x80, $0x38;
	[tilespmem:$0x8180] =	vst v63  }
0x92: {  	_ =	swait.ge [sflag:s9], $0x80  }
0x93: {  	[sflag:s9] =	ssyncset.done $0x0  }
0x94: {  	[sflag:s9] =	ssyncadd.s32 $0xFFFFFF80  }
0x95: {  	s15 =	sadd.s32 $0x1, s15  }
0x96: {  	p0 =	sne.s32 s15, s8  }
.Ltmp2:
0x97: {  	_ = 	snop;
	(pc) =	sbr.rel @p0 .LBB2_1-.Ltmp2, $1  }
0x98: {  	_ =	sdelay $0x3  }
0x99: {  	_ =	sfence.sel $0x180000  }
0x9a: {  	[bflag:$0x0] =	sbarrier.arrive $0xFFFF  }
0x9b: {  	p0 =	sne.s32 s3, $0x0;
	_ =	strace $0x9000004D  }
0x9c: {  	s0 =	sadd.s32 @!p0 $0x100000, s0;
	[bflag:$0x2] =	sbarrier.arrive $0xFFFF  }
0x9d: {  	[sflag:s0] =	ssyncadd.tile.s32 @!p0 $0x1;
	_ =	shalt  }
.Lfunc_end2:
_tile_overlayer_lowered:
.L_overlay_start_2:
0x9e: {  	(tag) =	ssettag $0x2  }
0x9f: {  	s0 =	rddreg [dreg:$0x0];
	s2 =	stileid.u32  }
0xa0: {  	s1 =	rddreg [dreg:$0x1];
	p0 =	sne.s32 s2, $0x0  }
0xa1: {  	s3 =	rddreg [dreg:$0x2];
	[bflag:$0x3] =	sbarrier.arrive $0xFFFF;
	s2 =	simm.s32 @!p0 $0x1C02  }
0xa2: {  	[timem:s3], [sflag:s2] =	dma.local @!p0 [hbm:s0], s1  }
0xa3: {  	s0 =	simm.s32 @!p0 $0x2  }
0xa4: {  	_ =	swait.ge @!p0 [sflag:s0], s1  }
0xa5: {  	s1 =	ssub.s32 @!p0 $0x0, s1;
	[sflag:s0] =	ssyncset.done @!p0 $0x0  }
0xa6: {  	[sflag:s0] =	ssyncadd.s32 @!p0 s1  }
0xa7: {  	[bflag:$0x3] =	sbarrier.arrive $0xFFFF  }
0xa8: {  	_ =	shalt  }

// kernel: kernel.8.cloned.1.call-start
scs
__scs_entry_jumppad:
0x0: {  	(pc) =	sbr.rel $0x88, $3  }
0x1: {  	(tag) =	ssettag $0x0;
	lr =	simm.s32 $0x1  }
0x2: {  	[smem:$0x3F94] =	sst lr;
	_ =	strace $0xD0000000  }
0x3: {  	_ = 	snop  }
0x4: {  	_ = 	snop  }
0x5: {  	_ = 	snop  }
0x6: {  	_ = 	snop  }
0x7: {  	_ = 	snop  }
__scs_overlays_trampoline_lowered:
0x8: {  	[smem:$0x3FA3] =	sst s0  }
0x9: {  	[smem:$0x3FA4] =	sst s1  }
0xa: {  	[smem:$0x3FA5] =	sst s2  }
0xb: {  	[smem:$0x3FA6] =	sst s3  }
0xc: {  	[smem:$0x3FA7] =	sst s4  }
0xd: {  	[smem:$0x3FA8] =	sst s5  }
0xe: {  	[smem:$0x3FA9] =	sst s6  }
0xf: {  	[smem:$0x3FAA] =	sst s7  }
0x10: {  	[smem:$0x3FAB] =	sst s8  }
0x11: {  	[smem:$0x3FAC] =	sst s9;
	s0 =	simm.s32 @!p0 $0x0  }
0x12: {  	s1 =	sld [smem:$0x3F92];
	s0 =	simm.s32 @p0 $0x1  }
0x13: {  	[smem:$0x3FAD] =	sst s0;
	s0 =	simm.s32 @!p1 $0x0  }
0x14: {  	s2 =	sld [smem:$0x3F91];
	s0 =	simm.s32 @p1 $0x1  }
0x15: {  	[smem:$0x3FAE] =	sst s0;
	s0 =	simm.s32 @!p2 $0x0  }
0x16: {  	s3 =	sld [smem:$0x3FDB];
	s0 =	simm.s32 @p2 $0x1  }
0x17: {  	s4 =	simm.s32 $0x1BF5;
	[smem:$0x3FB0] =	sst s0  }
0x18: {  	s0 =	sld [smem:$0x3F93];
	_ =	swait.ge [sflag:s4], $0x0  }
0x19: {  	s7 =	sld [smem:$0x3F94]  }
0x1a: {  	s8 =	sadd.s32 $0xFFFFE003, lr  }
0x1b: {  	s9 =	sadd.s32 $0xFFFFFEF7, lr;
	s5 =	simm.s32 $0xFFFFFFFF;
	p2 =	slt.u32 s8, $0xFFFFF086  }
0x1c: {  	p1 =	slt.u32 s9, $0xF7A;
	s5 =	simm.s32 @!p2 $0x0  }
0x1d: {  	s5 =	simm.s32 @p1 $0x1;
	p0 =	seq.s32 s7, s2  }
0x1e: {  	s7 =	smul.u32 @!p0 $0xF7A, s2;
	p2 =	seq.s32 @!p0 s5, $0x0  }
0x1f: {  	s9 =	smul.u32 $0xF7A, s1;
	s8 =	simm.s32 @!p0 $0x1BF5;
	p2 =	por !p2, p0  }
0x20: {  	[sflag:s8] =	ssyncset.s32 @!p0 $0xFFFFF086;
	s6 =	sadd.s32 @!p0 s3, s7;
	s7 =	simm.s32 @!p0 $0x108  }
0x21: {  	s3 =	sadd.s32 s3, s9;
	s6 =	sadd.s32 @!p0 $0x88, s6;
	s7 =	simm.s32 @p2 $0x1082  }
0x22: {  	[simem:s7], [sflag:s8] =	dma.local @!p0 [hbm:s6], $0xF7A  }
0x23: {  	s9 =	sor.u32 $0xD0000000, s2;
	s6 =	simm.s32 $0x108;
	_ =	swait.ge @!p0 [sflag:s8], $0x0  }
0x24: {  	s3 =	sadd.s32 $0x88, s3;
	s6 =	simm.s32 @!p1 $0x1082;
	[sflag:s4] =	ssyncset.s32 $0xFFFFF086  }
0x25: {  	[simem:s6], [sflag:s4] =	dma.local [hbm:s3], $0xF7A  }
0x26: {  	[smem:$0x3F94] =	sst s1;
	(tag) =	ssettag s2;
	_ =	strace s9  }
0x27: {  	s1 =	sld [smem:$0x3FA4]  }
0x28: {  	s2 =	sld [smem:$0x3FA5]  }
0x29: {  	s4 =	sld [smem:$0x3FA7]  }
0x2a: {  	p0 =	seq.s32 s5, $0x0;
	s5 =	sld [smem:$0x3FA8]  }
0x2b: {  	s6 =	sld [smem:$0x3FA9]  }
0x2c: {  	s7 =	sld [smem:$0x3FAA]  }
0x2d: {  	s3 =	simm.s32 $0x108;
	s8 =	sld [smem:$0x3FAB]  }
0x2e: {  	s3 =	simm.s32 @!p0 $0x1082;
	s9 =	sld [smem:$0x3FAC]  }
0x2f: {  	lr =	sadd.s32 s0, s3;
	s0 =	sld [smem:$0x3FA3]  }
0x30: {  	s3 =	sld [smem:$0x3FA6]  }
0x31: {  	[smem:$0x3FAF] =	sst s10  }
0x32: {  	s10 =	sld [smem:$0x3FAD];
	_ =	sdelay $0x3  }
0x33: {  	p0 =	seq.s32 s10, $0x1;
	s10 =	sld [smem:$0x3FAF];
	_ =	sdelay $0x3  }
0x34: {  	[smem:$0x3FAF] =	sst s10  }
0x35: {  	s10 =	sld [smem:$0x3FAE];
	_ =	sdelay $0x3  }
0x36: {  	p1 =	seq.s32 s10, $0x1;
	s10 =	sld [smem:$0x3FAF];
	_ =	sdelay $0x3  }
0x37: {  	[smem:$0x3FAF] =	sst s10  }
0x38: {  	s10 =	sld [smem:$0x3FB0]  }
0x39: {  	_ = 	snop;
	(pc) =	sbr.ind lr, $3  }
0x3a: {  	_ = 	snop  }
0x3b: {  	_ = 	snop  }
0x3c: {  	p2 =	seq.s32 s10, $0x1;
	s10 =	sld [smem:$0x3FAF]  }
0x3d: {  	_ =	shalt  }
0x3e: {  	_ =	shalt  }
0x3f: {  	_ =	shalt  }
0x40: {  	_ =	shalt  }
0x41: {  	_ =	shalt  }
0x42: {  	_ =	shalt  }
0x43: {  	_ =	shalt  }
0x44: {  	_ =	shalt  }
0x45: {  	_ =	shalt  }
0x46: {  	_ =	shalt  }
0x47: {  	_ =	shalt  }
0x48: {  	_ =	shalt  }
0x49: {  	_ =	shalt  }
0x4a: {  	_ =	shalt  }
0x4b: {  	_ =	shalt  }
0x4c: {  	_ =	shalt  }
0x4d: {  	_ =	shalt  }
0x4e: {  	_ =	shalt  }
0x4f: {  	_ =	shalt  }
0x50: {  	_ =	shalt  }
0x51: {  	_ =	shalt  }
0x52: {  	_ =	shalt  }
0x53: {  	_ =	shalt  }
0x54: {  	_ =	shalt  }
0x55: {  	_ =	shalt  }
0x56: {  	_ =	shalt  }
0x57: {  	_ =	shalt  }
0x58: {  	_ =	shalt  }
0x59: {  	_ =	shalt  }
0x5a: {  	_ =	shalt  }
0x5b: {  	_ =	shalt  }
0x5c: {  	_ =	shalt  }
0x5d: {  	_ =	shalt  }
0x5e: {  	_ =	shalt  }
0x5f: {  	_ =	shalt  }
0x60: {  	_ =	shalt  }
0x61: {  	_ =	shalt  }
0x62: {  	_ =	shalt  }
0x63: {  	_ =	shalt  }
0x64: {  	_ =	shalt  }
0x65: {  	_ =	shalt  }
0x66: {  	_ =	shalt  }
0x67: {  	_ =	shalt  }
0x68: {  	_ =	shalt  }
0x69: {  	_ =	shalt  }
0x6a: {  	_ =	shalt  }
0x6b: {  	_ =	shalt  }
0x6c: {  	_ =	shalt  }
0x6d: {  	_ =	shalt  }
0x6e: {  	_ =	shalt  }
0x6f: {  	_ =	shalt  }
0x70: {  	_ =	shalt  }
0x71: {  	_ =	shalt  }
0x72: {  	_ =	shalt  }
0x73: {  	_ =	shalt  }
0x74: {  	_ =	shalt  }
0x75: {  	_ =	shalt  }
0x76: {  	_ =	shalt  }
0x77: {  	_ =	shalt  }
0x78: {  	_ =	shalt  }
0x79: {  	_ =	shalt  }
0x7a: {  	_ =	shalt  }
0x7b: {  	_ =	shalt  }
0x7c: {  	_ =	shalt  }
0x7d: {  	_ =	shalt  }
0x7e: {  	_ =	shalt  }
0x7f: {  	_ =	shalt  }
0x80: {  	_ =	shalt  }
0x81: {  	_ =	shalt  }
0x82: {  	_ =	shalt  }
0x83: {  	_ =	shalt  }
0x84: {  	_ =	shalt  }
0x85: {  	_ =	shalt  }
0x86: {  	_ =	shalt  }
0x87: {  	_ =	shalt  }
.Lfunc_end0:
.L_simem_size_0:
called_computation_lowered:
.L_overlay_start_0:
0x88: {  	s2 =	sld [smem:$0x3FD9]  }
0x89: {  	s3 =	sld [smem:$0x3FFE];
	_ =	sdelay $0x1  }
0x8a: {  	s1 =	srdreg.scid  }
0x8b: {  	s0 =	sand.u32 $0x1, s1  }
0x8c: {  	s17 =	sshll.u32 s0, $0xA;
	s2 =	sadd.s32 s3, s2  }
0x8d: {  	s2 =	sadd.s32 s2, s17  }
0x8e: {  	[smem:$0x3FBB] =	sst s2  }
0x8f: {  	_ = 	snop  }
0x90: {  	s2 =	sld [smem:$0x3FD0];
	(tm) =	ssettm $0x1  }
0x91: {  	s18 =	sld [smem:$0x3FFB];
	_ =	sdelay $0x3  }
0x92: {  	_ =	strace s18  }
0x93: {  	s3 =	sld [smem:$0x3FFC];
	_ =	sdelay $0x3  }
0x94: {  	_ =	strace s3  }
0x95: {  	s3 =	sld [smem:$0x3FFD];
	_ =	sdelay $0x3  }
0x96: {  	_ =	strace s3  }
0x97: {  	_ =	strace $0x8FFFFFFF  }
0x98: {  	s19 =	sld [smem:$0x3FDB];
	_ =	sdelay $0x1  }
0x99: {  	s4 =	simm.s32 $_scs_section_size  }
0x9a: {  	s5 =	simm.s32 $_size__tile_overlayer_lowered;
	s6 =	simm.s32 $_tile_overlayer_lowered  }
0x9b: {  	s22 =	simm.s32 $0x1BFF;
	s21 =	sshll.u32 s6, $0x1;
	s3 =	sadd.s32 s4, s19  }
0x9c: {  	s7 =	simm.s32 $0x0;
	s20 =	sshll.u32 s5, $0x1;
	s5 =	sadd.s32 s21, s3  }
0x9d: {  	[timem:s7], [sflag:s22] =	dma.local [hbm:s5], s20  }
0x9e: {  	_ =	swait.ge [sflag:s22], s20  }
0x9f: {  	s4 =	ssub.s32 $0x0, s20;
	[sflag:s22] =	ssyncset.done $0x0  }
0xa0: {  	[sflag:s22] =	ssyncadd.s32 s4;
	_ =	sdelay $0x1  }
0xa1: {  	s23 =	simm.s32 $0x1B8B  }
0xa2: {  	_ =	swait.ge [sflag:s23], $0x1  }
0xa3: {  	[sflag:s23] =	ssyncset.done $0x0  }
0xa4: {  	s25 =	simm.s32 $0x1B8E;
	s24 =	sld [smem:$0x3FFE];
	[sflag:s23] =	ssyncadd.s32 $0xFFFFFFFF  }
0xa5: {  	s26 =	simm.s32 $execute0_lowered;
	[smem:$0x3FD2] =	sst s25  }
0xa6: {  	s5 =	sshll.u32 s26, $0x1;
	_ =	strace $0x80000046;
	[dreg:$0x1] =	wrdreg $0xFFFFFFFF  }
0xa7: {  	s28 =	simm.s32 $_size_execute0_lowered;
	s3 =	sadd.s32 s3, s5;
	[dreg:$0x0] =	wrdreg $0x0  }
0xa8: {  	s5 =	sshll.u32 s28, $0x1;
	[dreg:$0x2] =	wrdreg s3  }
0xa9: {  	[dreg:$0x3] =	wrdreg s5  }
0xaa: {  	[dreg:$0x4] =	wrdreg $0xC0  }
0xab: {  	_ =	task [dreg:s7], $0x5FFFF  }
0xac: {  	[dreg:$0x1] =	wrdreg $0xFFFFFFFF  }
0xad: {  	[dreg:$0x0] =	wrdreg $0x60  }
0xae: {  	[dreg:$0x2] =	wrdreg s24  }
0xaf: {  	[dreg:$0x3] =	wrdreg s2  }
0xb0: {  	[dreg:$0x4] =	wrdreg $0xB8000  }
0xb1: {  	[dreg:$0x5] =	wrdreg $0x9  }
0xb2: {  	_ =	task.clear_ibuf [dreg:s7], $0x6FFFF;
	_ =	strace $0x90000046  }
0xb3: {  	s29 =	simm.s32 $0x9;
	_ =	strace $0x80000048  }
0xb4: {  	_ =	swait.ge [sflag:s29], $0x1  }
0xb5: {  	[sflag:s29] =	ssyncadd.s32 $0xFFFFFFFF  }
0xb6: {  	_ =	strace $0x90000048  }
0xb7: {  	_ =	sfence  }
0xb8: {  	s30 =	sld [smem:$0x0];
	_ =	sdelay $0x2  }
0xb9: {  	s31 =	sshll.u32 s1, $0xD;
	s1 =	sshrl.u32 s1, $0x2  }
0xba: {  	s3 =	sand.u32 $0x4000, s31;
	s1 =	sadd.s32 s1, s30  }
0xbb: {  	s0 =	sor.u32 s3, s0;
	s1 =	sshll.u32 s1, $0x11  }
0xbc: {  	s0 =	sor.u32 s1, s0  }
0xbd: {  	s0 =	sadd.s32 $0x8F2B, s0  }
0xbe: {  	[sflag:s0] =	ssyncadd.remote.s32 $0x1  }
0xbf: {  	_ =	sfence.sel $0xFFFF  }
0xc0: {  	[dreg:$0x0] =	wrdreg $0xFFFFFFFF;
	(pc) =	sbr.abs _section_cstart, $3  }
0xc1: {  	[dreg:$0x1] =	wrdreg $0xFFFFFFFF  }
0xc2: {  	_ =	task.clear_ibuf [dreg:s7], $0x2FFFF;
	_ =	strace $0x9FFFFFFF  }
0xc3: {  	(tm) =	ssettm $0x7FFFFFFF  }
tec
execute0_lowered:
.L_overlay_start_1:
0x0: {  	(tag) =	ssettag $0x1  }
0x1: {  	s0 =	rddreg [dreg:$0x0]  }
0x2: {  	s14 =	rddreg [dreg:$0x1]  }
0x3: {  	s1 =	rddreg [dreg:$0x2];
	s3 =	simm.s32 $0x0;
	s2 =	stileid.u32  }
0x4: {  	s6 =	srdreg.scid;
	s18 =	simm.s32 $0x3EC00;
	s19 =	simm.s32 $0x2  }
0x5: {  	s20 =	simm.s32 $0x7680;
	s21 =	simm.s32 $0x7700;
	s22 =	simm.s32 $0x80  }
0x6: {  	s23 =	simm.s32 $0x1;
	s25 =	simm.s32 $0x0;
	[smem:$0x7FF] =	sst s3  }
0x7: {  	s4 =	sadd.s32 $0x65E00, s0;
	s7 =	smul.u32 $0x50000, s2;
	s5 =	sadd.s32 $0x3600, s0  }
0x8: {  	s8 =	smul.u32 $0x2800, s2;
	s24 =	sand.u32 $0x1, s6;
	s6 =	sadd.s32 $0xD800, s0  }
0x9: {  	s10 =	sshrl.u32 s2, $0x3;
	s12 =	sshll.u32 s2, $0x7;
	_ =	strace $0x80000047  }
0xa: {  	[dreg:$0x4] =	wrdreg s4;
	s9 =	ssub.s32 $0x2, s24;
	s13 =	smul.u32 $0x14000, s10  }
0xb: {  	s17 =	sand.u32 $0x380, s12;
	s12 =	smul.u32 $0x5100, s2;
	p1 =	seq.s32 s24, $0x0  }
0xc: {  	p0 =	seq.s32 s24, $0x1;
	s7 =	sshrl.u32 s7, $0x2;
	s15 =	sadd.s32 s8, s0  }
0xd: {  	s31 =	sshrl.u32 s9, $0x1;
	s18 =	simm.s32 @!p1 $0x17A00;
	p1 =	sne.s32 s24, $0x0  }
0xe: {  	s24 =	simm.s32 $0x7780;
	s7 =	sadd.s32 s7, s1;
	s16 =	ssub.s32 s9, s31  }
0xf: {  	s13 =	sor.u32 s17, s13;
	s8 =	sadd.s32 $0x4000, s7;
	s9 =	sadd.s32 $0x8000, s7  }
0x10: {  	s10 =	sadd.s32 $0xC000, s7;
	s11 =	sadd.s32 $0x10000, s7;
	s17 =	sshrl.u32 s13, $0x3  }
0x11: {  	s13 =	sadd.s32 $0x66800, s15;
	s15 =	sadd.s32 $0x8E800, s15;
	s16 =	smax.u32 s16, $0x1  }
0x12: {  	v0 =	vimm.f32 $0.0e+00;
	s14 =	sadd.s32 s14, s17;
	s17 =	sadd.s32 s18, s0;
	s18 =	simm.s32 $0x7800  }
.LBB2_1:
0x13: {  	s0 =	simm.s32 $0x0;
	s26 =	simm.s32 $0x200  }
.LBB2_2:
0x14: {  	p2 =	sne.s32 s26, $0xFE00;
	[tilespmem:s0+$0x7870] =	vst v0  }
0x15: {  	[tilespmem:s0+$0x7800] =	vst v0  }
0x16: {  	[tilespmem:s0+$0x7810] =	vst v0  }
.Ltmp0:
0x17: {  	[tilespmem:s0+$0x7820] =	vst v0;
	(pc) =	sbr.rel @p2 .LBB2_2-.Ltmp0, $4  }
0x18: {  	[tilespmem:s0+$0x7830] =	vst v0  }
0x19: {  	[tilespmem:s0+$0x7840] =	vst v0  }
0x1a: {  	[tilespmem:s0+$0x7850] =	vst v0  }
0x1b: {  	[tilespmem:s0+$0x7860] =	vst v0;
	s0 =	sshra.s32 s26, $0x2;
	s26 =	sadd.s32 $0x200, s26  }
0x1c: {  	[tilespmem:s0+$0x7870] =	vst v0  }
0x1d: {  	[tilespmem:s0+$0x7800] =	vst v0  }
0x1e: {  	[tilespmem:s0+$0x7810] =	vst v0  }
0x1f: {  	[tilespmem:s0+$0x7820] =	vst v0  }
0x20: {  	[tilespmem:s0+$0x7830] =	vst v0  }
0x21: {  	[tilespmem:s0+$0x7840] =	vst v0  }
0x22: {  	[tilespmem:s0+$0x7850] =	vst v0  }
0x23: {  	[tilespmem:s0+$0x7860] =	vst v0  }
0x24: {  	[spmem:s7] =	stream.linear.scatter [tilespmem:s18], [sflag:$0x2], $0x4000, $0x38;
	[tilespmem:$0x1F800] =	vst v63  }
0x25: {  	_ =	swait.ge [sflag:s19], $0x4000  }
0x26: {  	[sflag:s19] =	ssyncset.done $0x0  }
0x27: {  	[sflag:s19] =	ssyncadd.s32 $0xFFFFC000  }
0x28: {  	[spmem:s8] =	stream.linear.scatter [tilespmem:s18], [sflag:$0x2], $0x4000, $0x38;
	[tilespmem:$0x1F800] =	vst v63  }
0x29: {  	_ =	swait.ge [sflag:s19], $0x4000  }
0x2a: {  	[sflag:s19] =	ssyncset.done $0x0  }
0x2b: {  	[sflag:s19] =	ssyncadd.s32 $0xFFFFC000  }
0x2c: {  	[spmem:s9] =	stream.linear.scatter [tilespmem:s18], [sflag:$0x2], $0x4000, $0x38;
	[tilespmem:$0x1F800] =	vst v63  }
0x2d: {  	_ =	swait.ge [sflag:s19], $0x4000  }
0x2e: {  	[sflag:s19] =	ssyncset.done $0x0  }
0x2f: {  	[sflag:s19] =	ssyncadd.s32 $0xFFFFC000  }
0x30: {  	[spmem:s10] =	stream.linear.scatter [tilespmem:s18], [sflag:$0x2], $0x4000, $0x38;
	[tilespmem:$0x1F800] =	vst v63  }
0x31: {  	_ =	swait.ge [sflag:s19], $0x4000  }
0x32: {  	[sflag:s19] =	ssyncset.done $0x0  }
0x33: {  	[sflag:s19] =	ssyncadd.s32 $0xFFFFC000  }
0x34: {  	[spmem:s11] =	stream.linear.scatter [tilespmem:s18], [sflag:$0x2], $0x4000, $0x38;
	[tilespmem:$0x1F800] =	vst v63  }
0x35: {  	_ =	swait.ge [sflag:s19], $0x4000  }
0x36: {  	[sflag:s19] =	ssyncset.done $0x0  }
0x37: {  	s0 =	simm.s32 $0x40;
	s26 =	simm.s32 $0x0;
	[sflag:s19] =	ssyncadd.s32 $0xFFFFC000  }
.LBB2_4:
0x38: {  	p2 =	sne.s32 s0, $0x9FC0;
	[tilespmem:s26+$0x4E80] =	vst v0;
	s26 =	smov.u32 s0;
	s0 =	sadd.s32 $0x40, s0  }
.Ltmp1:
0x39: {  	(pc) =	sbr.rel @p2 .LBB2_4-.Ltmp1, $2  }
0x3a: {  	_ =	sdelay $0x2  }
0x3b: {  	s26 =	sshra.s32 s26, $0x2  }
0x3c: {  	[tilespmem:s26+$0x4E80] =	vst v0;
	s26 =	simm.s32 $0x0;
	s0 =	rddreg [dreg:$0x4]  }
0x3d: {  	[tilespmem:s26], [sflag:$0x2] =	stream.linear.gather [hbm4b:s0+s26], $0x4E80, $0x38;
	[tilespmem:$0x1F800] =	vst v63  }
0x3e: {  	_ =	swait.ge [sflag:s19], $0x4E80  }
0x3f: {  	[sflag:s19] =	ssyncset.done $0x0  }
0x40: {  	[sflag:s19] =	ssyncadd.s32 $0xFFFFB180  }
0x41: {  	s28 =	smov.u32 s12;
	s29 =	simm.s32 $0x0;
	[bflag:$0x0] =	sbarrier.arrive $0xFFFF  }
.LBB2_6:
0x42: {  	s0 =	sshll.u32 s29, $0x7  }
0x43: {  	s0 =	sadd.s32 s12, s0  }
0x44: {  	s0 =	sshrl.u32 s0, $0x3  }
0x45: {  	s30 =	sadd.s32 s5, s0  }
0x46: {  	[tilespmem:s20], [sflag:$0x2] =	stream.linear.gather [hbm4b:s30+s26], $0x80, $0x38;
	[tilespmem:$0x1F800] =	vst v63  }
0x47: {  	_ =	swait.ge [sflag:s19], $0x80  }
0x48: {  	[sflag:s19] =	ssyncset.done $0x0  }
0x49: {  	s0 =	sadd.s32 s6, s0;
	[sflag:s19] =	ssyncadd.s32 $0xFFFFFF80  }
0x4a: {  	[tilespmem:s21], [sflag:$0x2] =	stream.linear.gather [hbm4b:s0+s26], $0x80, $0x38;
	[tilespmem:$0x1F800] =	vst v63  }
0x4b: {  	_ =	swait.ge [sflag:s19], $0x80  }
0x4c: {  	[sflag:s19] =	ssyncset.done $0x0  }
0x4d: {  	[sflag:s19] =	ssyncadd.s32 $0xFFFFFF80  }
0x4e: {  	[tilespmem:s18], [sflag:$0x1] =	stream.indirect.gather [hbm4b:s17+s22], $0x80, s20, s22, $0xb8;
	[tilespmem:$0x1F800] =	vst v63  }
0x4f: {  	_ =	swait.ge [sflag:s23], $0x4000  }
0x50: {  	[sflag:s23] =	ssyncset.done $0x0  }
0x51: {  	s30 =	simm.s32 $0x0;
	s0 =	smov.u32 s28;
	[sflag:s23] =	ssyncadd.s32 $0xFFFFC000  }
.LBB2_7:
0x52: {  	s31 =	sshra.s32 s30, $0x2  }
0x53: {  	v1 =	vld [tilespmem:s31+$0x7680]  }
0x54: {  	v2 =	vld [tilespmem:s31+$0x7700];
	_ =	sdelay $0x4  }
0x55: {  	v1 =	vshll.u32 v1, $0x1;
	v3 =	vshll.u32 v2, $0x1  }
0x56: {  	v3 =	vor.u32 $0x1, v3;
	_ =	sdelay $0x3  }
0x57: {  	v1 =	vld.idx.msk [tilespmem:v1+s3+$0x0], $0xffff  }
0x58: {  	v3 =	vld.idx.msk [tilespmem:v3+s3+$0x0], $0xffff;
	_ =	sdelay $0x4  }
0x59: {  	v1 =	vadd.f32 v3, v1;
	_ =	sdelay $0x1  }
0x5a: {  	v3 =	vmul.f32 $2.000000030e-01, v1  }
0x5b: {  	vm0 =	vgt.f32 v1, $0.0e+00  }
0x5c: {  	v1 =	vsel vm0, v1, v3  }
0x5d: {  	v1 =	vmul.f32 $1.442695020e+00, v1;
	_ =	sdelay $0x1  }
0x5e: {  	(erf) = vpow2.f32 v1;
	_ =	sdelay $0x8  }
0x5f: {  	p2 =	slt.u32 s0, $0x50910;
	s30 =	sadd.s32 $0x40, s30;
	v1 =	vpop (erf)  }
0x60: {  	v1 =	vpsel !p2, $0x0, v1;
	p2 =	sne.s32 s30, $0x200  }
.Ltmp2:
0x61: {  	_ = 	snop;
	(pc) =	sbr.rel @p2 .LBB2_7-.Ltmp2, $3  }
0x62: {  	_ =	sdelay $0x1  }
0x63: {  	[tilespmem:s31+$0x7780] =	vst v1;
	s31 =	simm.s32 @!p1 $0x4E80  }
0x64: {  	s0 =	sadd.s32 $0x10, s0;
	[tilespmem:v2+s31+$0x0] =	vst.idx.add.f32.msk @!p1 $0xffff, v1  }
0x65: {  	s0 =	simm.s32 $0x0  }
0x66: {  	v1 =	vmov s0  }
0x67: {  	s30 =	simm.s32 $0x7840  }
0x68: {  	v5 =	vld [tilespmem:s30+$0x30]  }
0x69: {  	v8 =	vld [tilespmem:s30+$0x10]  }
0x6a: {  	v6 =	vld [tilespmem:s30+$0xFFFFFFC0]  }
0x6b: {  	v2 =	vld.idx.msk [tilespmem:v1+s24+$0x0], $0xffff  }
0x6c: {  	v10 =	vld [tilespmem:s30+$0xFFFFFFE0]  }
0x6d: {  	v3 =	vld [tilespmem:s30+$0x20]  }
0x6e: {  	v4 =	vld [tilespmem:s30+$0xFFFFFFD0]  }
0x6f: {  	v1 =	vld [tilespmem:s30+$0xFFFFFFF0]  }
0x70: {  	v9 =	vmul.f32 v5, v2;
	v5 =	vld [tilespmem:s30+$0x0]  }
0x71: {  	v7 =	vmul.f32 v6, v2  }
0x72: {  	s31 =	simm.s32 $0x1;
	s0 =	simm.s32 $0x7840;
	v6 =	vmul.f32 v10, v2;
	v8 =	vmul.f32 v8, v2  }
.LBB2_9:
0x73: {  	p2 =	sne.s32 s31, $0x7F  }
0x74: {  	v4 =	vmul.f32 v4, v2;
	v3 =	vmul.f32 v3, v2;
	[tilespmem:s30+$0x30] =	vst v9;
	s0 =	sadd.s32 $0x80, s0;
	s4 =	smov.u32 s31;
	s31 =	sadd.s32 $0x1, s31  }
0x75: {  	[tilespmem:s30+$0xFFFFFFC0] =	vst v7;
	v7 =	vmul.f32 v1, v2;
	v2 =	vmul.f32 v5, v2  }
0x76: {  	[tilespmem:s30+$0x10] =	vst v8  }
0x77: {  	v5 =	vmov s4;
	[tilespmem:s30+$0xFFFFFFE0] =	vst v6  }
0x78: {  	v1 =	vld [tilespmem:s0+$0xFFFFFFF0];
	[tilespmem:s30+$0xFFFFFFF0] =	vst v7  }
0x79: {  	v6 =	vld [tilespmem:s0+$0x30];
	[tilespmem:s30+$0x0] =	vst v2  }
0x7a: {  	v8 =	vld [tilespmem:s0+$0x10];
	[tilespmem:s30+$0x20] =	vst v3  }
0x7b: {  	v7 =	vld [tilespmem:s0+$0xFFFFFFC0];
	[tilespmem:s30+$0xFFFFFFD0] =	vst v4;
	s30 =	smov.u32 s0  }
0x7c: {  	v2 =	vld.idx.msk [tilespmem:v5+s24+$0x0], $0xffff  }
0x7d: {  	v10 =	vld [tilespmem:s0+$0xFFFFFFE0]  }
0x7e: {  	v3 =	vld [tilespmem:s0+$0x20]  }
.Ltmp3:
0x7f: {  	v4 =	vld [tilespmem:s0+$0xFFFFFFD0];
	(pc) =	sbr.rel @p2 .LBB2_9-.Ltmp3, $3  }
0x80: {  	v5 =	vld [tilespmem:s0+$0x0];
	_ =	sdelay $0x1  }
0x81: {  	v7 =	vmul.f32 v7, v2;
	v9 =	vmul.f32 v6, v2  }
0x82: {  	v8 =	vmul.f32 v8, v2;
	v6 =	vmul.f32 v10, v2  }
0x83: {  	[tilespmem:s30+$0x30] =	vst v9  }
0x84: {  	[tilespmem:s30+$0xFFFFFFC0] =	vst v7  }
0x85: {  	v1 =	vmul.f32 v1, v2;
	[tilespmem:s30+$0x10] =	vst v8  }
0x86: {  	v3 =	vmul.f32 v3, v2;
	[tilespmem:s30+$0xFFFFFFE0] =	vst v6  }
0x87: {  	v5 =	vmul.f32 v5, v2;
	[tilespmem:s30+$0xFFFFFFF0] =	vst v1  }
0x88: {  	s29 =	sadd.s32 $0x1, s29;
	v1 =	vmul.f32 v4, v2;
	[tilespmem:s30+$0x20] =	vst v3  }
0x89: {  	p2 =	sne.s32 s29, $0xA2;
	[tilespmem:s30+$0x0] =	vst v5  }
.Ltmp4:
0x8a: {  	[tilespmem:s30+$0xFFFFFFD0] =	vst v1;
	(pc) =	sbr.rel @p2 .LBB2_6-.Ltmp4, $4  }
0x8b: {  	[spmem:s1] =	stream.indirect.scatter.add.f32 [tilespmem:s18], [sflag:$0x2], $0x80, s21, s22, $0xb8;
	[tilespmem:$0x1F800] =	vst v63  }
0x8c: {  	_ =	swait.ge [sflag:s19], $0x4000  }
0x8d: {  	[sflag:s19] =	ssyncset.done $0x0  }
0x8e: {  	s28 =	sadd.s32 $0x80, s28;
	[sflag:s19] =	ssyncadd.s32 $0xFFFFC000  }
0x8f: {  	s0 =	sshll.u32 @p0 s2, $0x6  }
0x90: {  	[bflag:$0x0] =	sbarrier.arrive $0xFFFF;
	s4 =	sshrl.u32 @p0 s7, $0x3;
	s0 =	sor.u32 @p0 $0x1C02, s0  }
0x91: {  	[hbm:s15], [sflag:s0] =	dma.local @p0 [spmem:s4], $0x2800  }
0x92: {  	s0 =	sshll.u32 @!p0 s2, $0x6  }
0x93: {  	s4 =	sshrl.u32 @!p0 s7, $0x3;
	s0 =	sor.u32 @!p0 $0x1C02, s0  }
0x94: {  	[hbm:s13], [sflag:s0] =	dma.local @!p0 [spmem:s4], $0x2800  }
0x95: {  	s0 =	simm.s32 @!p0 $0x2  }
0x96: {  	s26 =	simm.s32 @!p0 $0x4E80;
	s25 =	sadd.s32 $0x1, s25;
	_ =	swait.ge @!p0 [sflag:s0], $0x2800  }
0x97: {  	p2 =	sne.s32 s25, s16;
	s4 =	simm.s32 @!p0 $0x400;
	[sflag:s0] =	ssyncset.done @!p0 $0x0  }
.Ltmp5:
0x98: {  	[sflag:s0] =	ssyncadd.s32 @!p0 $0xFFFFD800;
	s0 =	simm.s32 @!p0 $0x80;
	(pc) =	sbr.rel @p2 .LBB2_1-.Ltmp5, $4  }
0x99: {  	[hbm4b:s14+s0] =	stream.strided.scatter @!p0 [tilespmem:s26], [sflag:$0x2], $0x2800, s4, s0, $0x38;
	[tilespmem:$0x1F800] =	vst v63  }
0x9a: {  	_ =	swait.ge [sflag:s19], $0x2800  }
0x9b: {  	[sflag:s19] =	ssyncset.done $0x0  }
0x9c: {  	[sflag:s19] =	ssyncadd.s32 $0xFFFFD800  }
0x9d: {  	_ =	sfence.sel $0x180000  }
0x9e: {  	[bflag:$0x0] =	sbarrier.arrive $0xFFFF  }
0x9f: {  	_ =	strace $0x90000047  }
0xa0: {  	[bflag:$0x2] =	sbarrier.arrive $0xFFFF  }
0xa1: {  	p0 =	sne.s32 s2, $0x0;
	s0 =	rddreg [dreg:$0x3]  }
0xa2: {  	s0 =	sadd.s32 @!p0 $0x100000, s0  }
0xa3: {  	[sflag:s0] =	ssyncadd.tile.s32 @!p0 $0x1;
	_ =	shalt  }
.Lfunc_end2:
_tile_overlayer_lowered:
.L_overlay_start_2:
0xa4: {  	(tag) =	ssettag $0x2  }
0xa5: {  	s0 =	rddreg [dreg:$0x0];
	s2 =	stileid.u32  }
0xa6: {  	s1 =	rddreg [dreg:$0x1];
	p0 =	sne.s32 s2, $0x0  }
0xa7: {  	s3 =	rddreg [dreg:$0x2];
	[bflag:$0x3] =	sbarrier.arrive $0xFFFF;
	s2 =	simm.s32 @!p0 $0x1C02  }
0xa8: {  	[timem:s3], [sflag:s2] =	dma.local @!p0 [hbm:s0], s1  }
0xa9: {  	s0 =	simm.s32 @!p0 $0x2  }
0xaa: {  	_ =	swait.ge @!p0 [sflag:s0], s1  }
0xab: {  	s1 =	ssub.s32 @!p0 $0x0, s1;
	[sflag:s0] =	ssyncset.done @!p0 $0x0  }
0xac: {  	[sflag:s0] =	ssyncadd.s32 @!p0 s1  }
0xad: {  	[bflag:$0x3] =	sbarrier.arrive $0xFFFF  }
0xae: {  	_ =	shalt  }

</sc_bundles>
